<compile_context>
chip_gen: v7x
topology: tpu7x:2x2x1
jax: 0.10.2.dev20260603
libtpu: 0.0.44.dev20260713+nightly
codegen_flags: <defaults>
</compile_context>

<pallas_src>
import functools

import jax
import jax.numpy as jnp
from jax import lax
from jax.experimental import pallas as pl
from jax.experimental.pallas import tpu as pltpu
from jax.experimental.pallas import tpu_sc as plsc

N = 5000
NP = 5120
D = 128
E = 320000
L = 65536
NC = 2
NS = 16
RPT = NP // NS
EPT = E // NS
CH = 128
ITERS = 158
EPTB = ITERS * CH
SINK = N
LPW = L // (NC * NS)
CHL = 128
LITERS = LPW // CHL

_f32 = jnp.float32
_i32 = jnp.int32


def _mesh():
    return plsc.VectorSubcoreMesh(core_axis_name="c", subcore_axis_name="s")


def _make_agg(with_cnt):
    out_type = [jax.ShapeDtypeStruct((NP, D), _f32),
                jax.ShapeDtypeStruct((NP, D), _f32)]
    scratch = [
        pltpu.VMEM_SHARED((NP, D), _f32),
        pltpu.VMEM((ITERS, CH), _i32),
        pltpu.VMEM((ITERS, CH), _i32),
        pltpu.VMEM((CH, D), _f32),
        pltpu.VMEM((CH, D), _f32),
        pltpu.SemaphoreType.DMA,
        pltpu.SemaphoreType.DMA,
    ]
    if with_cnt:
        out_type += [jax.ShapeDtypeStruct((NP, D), _f32),
                     jax.ShapeDtypeStruct((NP, D), _f32)]
        scratch += [
            pltpu.VMEM((CH, D), _f32),
        ]

    @functools.partial(pl.kernel, mesh=_mesh(), out_type=out_type,
                       scratch_types=scratch)
    def agg(*refs):
        if with_cnt:
            (xu, xj, su, du, sj, dj, znd, ones,
             out_j, out_u, cnt_j, cnt_u,
             acc, sidx, didx, rbuf0, rbuf1, sem0, sem1,
             obuf) = refs
        else:
            (xu, xj, su, du, sj, dj, znd,
             out_j, out_u,
             acc, sidx, didx, rbuf0, rbuf1, sem0, sem1) = refs
        cid = lax.axis_index("c")
        sid = lax.axis_index("s")
        r0 = sid * RPT

        def run(x_hbm, src_hbm, dst_hbm, out_hbm, cnt_hbm):
            pltpu.sync_copy(src_hbm.at[sid], sidx)
            pltpu.sync_copy(dst_hbm.at[sid], didx)
            pltpu.sync_copy(znd.at[pl.ds(r0, RPT)], acc.at[pl.ds(r0, RPT)])
            if with_cnt:
                pltpu.sync_copy(ones, obuf)
            plsc.subcore_barrier()

            pltpu.async_copy(x_hbm.at[sidx.at[0]], rbuf0, sem0)
            pltpu.async_copy(x_hbm.at[sidx.at[1]], rbuf1, sem1)

            def step(k, carry):
                i0 = 2 * k
                i1 = 2 * k + 1
                pltpu.make_async_copy(x_hbm.at[sidx.at[i0]], rbuf0,
                                      sem0).wait()
                pltpu.sync_copy(rbuf0, acc.at[didx.at[i0]], add=True)

                @pl.when(i0 + 2 < ITERS)
                def _():
                    pltpu.async_copy(x_hbm.at[sidx.at[i0 + 2]], rbuf0, sem0)

                pltpu.make_async_copy(x_hbm.at[sidx.at[i1]], rbuf1,
                                      sem1).wait()
                pltpu.sync_copy(rbuf1, acc.at[didx.at[i1]], add=True)

                @pl.when(i1 + 2 < ITERS)
                def _():
                    pltpu.async_copy(x_hbm.at[sidx.at[i1 + 2]], rbuf1, sem1)

                return carry

            lax.fori_loop(0, ITERS // 2, step, 0)
            plsc.subcore_barrier()

            pltpu.sync_copy(acc.at[pl.ds(r0, RPT)], out_hbm.at[pl.ds(r0, RPT)])
            if with_cnt:
                pltpu.sync_copy(znd.at[pl.ds(r0, RPT)],
                                acc.at[pl.ds(r0, RPT)])
                plsc.subcore_barrier()

                def cstep(i, carry):
                    pltpu.sync_copy(obuf, acc.at[didx.at[i]], add=True)
                    return carry

                lax.fori_loop(0, ITERS, cstep, 0)
                plsc.subcore_barrier()
                pltpu.sync_copy(acc.at[pl.ds(r0, RPT)],
                                cnt_hbm.at[pl.ds(r0, RPT)])

        @pl.when(cid == 0)
        def _():
            run(xu, su, du, out_j, cnt_j if with_cnt else None)

        @pl.when(cid == 1)
        def _():
            run(xj, sj, dj, out_u, cnt_u if with_cnt else None)

    return agg


@functools.lru_cache(maxsize=None)
def _get_agg(with_cnt):
    return _make_agg(with_cnt)


@functools.lru_cache(maxsize=None)
def _get_gather():
    @functools.partial(
        pl.kernel, mesh=_mesh(),
        out_type=[jax.ShapeDtypeStruct((L, D), _f32),
                  jax.ShapeDtypeStruct((L, D), _f32)],
        scratch_types=[
            pltpu.VMEM((CHL,), _i32),
            pltpu.VMEM((CHL,), _i32),
            pltpu.VMEM((CHL, D), _f32),
            pltpu.VMEM((CHL, D), _f32),
            pltpu.SemaphoreType.DMA,
            pltpu.SemaphoreType.DMA,
        ])
    def _gather_pairs(zu, zj, la, lb, out_a, out_b,
                      ia, ib, ra, rb, sema, semb):
        cid = lax.axis_index("c")
        sid = lax.axis_index("s")
        base = (cid * NS + sid) * LPW

        def step(i, carry):
            b = base + i * CHL
            pltpu.sync_copy(la.at[pl.ds(b, CHL)], ia)
            pltpu.async_copy(zu.at[ia], ra, sema)
            pltpu.sync_copy(lb.at[pl.ds(b, CHL)], ib)
            pltpu.async_copy(zj.at[ib], rb, semb)
            pltpu.make_async_copy(zu.at[ia], ra, sema).wait()
            pltpu.sync_copy(ra, out_a.at[pl.ds(b, CHL)])
            pltpu.make_async_copy(zj.at[ib], rb, semb).wait()
            pltpu.sync_copy(rb, out_b.at[pl.ds(b, CHL)])
            return carry

        lax.fori_loop(0, LITERS, step, 0)

    return _gather_pairs


def _mm_t(x, w):
    return lax.dot_general(x, w, (((1,), (1,)), ((), ())),
                           preferred_element_type=_f32)


def _sage_body(summ_j, cnt_j, x_j, w_l_j, b_j, w_r_j,
               summ_u, cnt_u, x_u, w_l_u, b_u, w_r_u,
               out_j, out_u, *, relu, normalize):
    def one(summ, cnt, x, wl, b, wr, out):
        mean = summ[...] / jnp.clip(cnt[...][:, 0:1], 1.0, None)
        h = _mm_t(mean, wl[...]) + b[...] + _mm_t(x[...], wr[...])
        if relu:
            h = jnp.maximum(h, 0.0)
        if normalize:
            nrm = jnp.sqrt(jnp.sum(h * h, axis=1, keepdims=True))
            h = h / jnp.clip(nrm, 1e-8, None)
        out[...] = h

    one(summ_j, cnt_j, x_j, w_l_j, b_j, w_r_j, out_j)
    one(summ_u, cnt_u, x_u, w_l_u, b_u, w_r_u, out_u)


def _tc_sage(summ_j, cnt_j, x_j, wl_j, b_j, wr_j,
             summ_u, cnt_u, x_u, wl_u, b_u, wr_u, *, relu, normalize):
    body = functools.partial(_sage_body, relu=relu, normalize=normalize)
    return pl.pallas_call(
        body,
        out_shape=[jax.ShapeDtypeStruct((NP, D), _f32),
                   jax.ShapeDtypeStruct((NP, D), _f32)],
    )(summ_j, cnt_j, x_j, wl_j, b_j, wr_j,
      summ_u, cnt_u, x_u, wl_u, b_u, wr_u)


def _dot_body(a_ref, b_ref, o_ref):
    o_ref[...] = jnp.sum(a_ref[...] * b_ref[...], axis=1)


_TC3_BLK = 8192


def _tc_rowdot(a, b):
    grid = L // _TC3_BLK
    return pl.pallas_call(
        _dot_body,
        grid=(grid,),
        in_specs=[pl.BlockSpec((_TC3_BLK, D), lambda i: (i, 0)),
                  pl.BlockSpec((_TC3_BLK, D), lambda i: (i, 0))],
        out_specs=pl.BlockSpec((_TC3_BLK,), lambda i: (i,)),
        out_shape=jax.ShapeDtypeStruct((L,), _f32),
    )(a, b)


def kernel(x_user, x_job, edge_index_u2j, edge_index_j2u, edge_label_index,
           W1l_u2j, W1r_u2j, b1_u2j, W1l_j2u, W1r_j2u, b1_j2u,
           W2l_u2j, W2r_u2j, b2_u2j, W2l_j2u, W2r_j2u, b2_j2u):
    def pack_edges(v, fill):
        v2 = v.astype(_i32).reshape(NS, EPT)
        v2 = jnp.pad(v2, ((0, 0), (0, EPTB - EPT)), constant_values=fill)
        return v2.reshape(NS, ITERS, CH)

    su2j = pack_edges(edge_index_u2j[0], 0)
    du2j = pack_edges(edge_index_u2j[1], SINK)
    sj2u = pack_edges(edge_index_j2u[0], 0)
    dj2u = pack_edges(edge_index_j2u[1], SINK)
    la = edge_label_index[0].astype(_i32)
    lb = edge_label_index[1].astype(_i32)
    xu = jnp.pad(x_user, ((0, NP - N), (0, 0)))
    xj = jnp.pad(x_job, ((0, NP - N), (0, 0)))
    znd = jnp.zeros((NP, D), _f32)
    ones = jnp.ones((CH, D), _f32)
    b1j = b1_u2j.reshape(1, D)
    b1u = b1_j2u.reshape(1, D)
    b2j = b2_u2j.reshape(1, D)
    b2u = b2_j2u.reshape(1, D)

    summ_j, summ_u, cnt_j, cnt_u = _get_agg(True)(
        xu, xj, su2j, du2j, sj2u, dj2u, znd, ones)
    h_job, h_user = _tc_sage(
        summ_j, cnt_j, xj, W1l_u2j, b1j, W1r_u2j,
        summ_u, cnt_u, xu, W1l_j2u, b1u, W1r_j2u,
        relu=True, normalize=False)

    summ2_j, summ2_u = _get_agg(False)(
        h_user, h_job, su2j, du2j, sj2u, dj2u, znd)
    zn_job, zn_user = _tc_sage(
        summ2_j, cnt_j, h_job, W2l_u2j, b2j, W2r_u2j,
        summ2_u, cnt_u, h_user, W2l_j2u, b2u, W2r_j2u,
        relu=False, normalize=True)

    ga, gb = _get_gather()(zn_user, zn_job, la, lb)
    return _tc_rowdot(ga, gb)

# --- scband reference (transcript-rebuilt; emitter-appended) ---
"""Pipeline reference for scband-model-54863912239638 (READ-ONLY COPY).

The authoritative reference and input builder live on the scoring server;
editing this copy changes nothing except your own understanding.
"""

import jax, jax.numpy as jnp
import numpy as np

N_USER = 5000
N_JOB = 5000
E = 320000
L = 65536
D = 128
H = 128


def setup_inputs(seed: int = 0) -> dict:
    key = jax.random.key(seed)
    ks = jax.random.split(key, 20)
    inp = {}
    inp["x_user"] = jax.random.normal(ks[0], (N_USER, D), dtype=jnp.float32)
    inp["x_job"] = jax.random.normal(ks[1], (N_JOB, D), dtype=jnp.float32)
    inp["edge_index_u2j"] = jnp.stack([
        jax.random.randint(ks[2], (E,), 0, N_USER),
        jax.random.randint(ks[3], (E,), 0, N_JOB)], axis=0).astype(jnp.int64)
    inp["edge_index_j2u"] = jnp.stack([
        jax.random.randint(ks[4], (E,), 0, N_JOB),
        jax.random.randint(ks[5], (E,), 0, N_USER)], axis=0).astype(jnp.int64)
    inp["edge_label_index"] = jnp.stack([
        jax.random.randint(ks[6], (L,), 0, N_USER),
        jax.random.randint(ks[7], (L,), 0, N_JOB)], axis=0).astype(jnp.int64)
    s1 = 1.0 / np.sqrt(D)
    s2 = 1.0 / np.sqrt(H)
    # layer 1 SAGEConv params per edge type (to_hetero duplicates params)
    inp["W1l_u2j"] = jax.random.uniform(ks[8], (H, D), minval=-s1, maxval=s1, dtype=jnp.float32)
    inp["W1r_u2j"] = jax.random.uniform(ks[9], (H, D), minval=-s1, maxval=s1, dtype=jnp.float32)
    inp["b1_u2j"] = jnp.zeros((H,), dtype=jnp.float32)
    inp["W1l_j2u"] = jax.random.uniform(ks[10], (H, D), minval=-s1, maxval=s1, dtype=jnp.float32)
    inp["W1r_j2u"] = jax.random.uniform(ks[11], (H, D), minval=-s1, maxval=s1, dtype=jnp.float32)
    inp["b1_j2u"] = jnp.zeros((H,), dtype=jnp.float32)
    # layer 2
    inp["W2l_u2j"] = jax.random.uniform(ks[12], (H, H), minval=-s2, maxval=s2, dtype=jnp.float32)
    inp["W2r_u2j"] = jax.random.uniform(ks[13], (H, H), minval=-s2, maxval=s2, dtype=jnp.float32)
    inp["b2_u2j"] = jnp.zeros((H,), dtype=jnp.float32)
    inp["W2l_j2u"] = jax.random.uniform(ks[14], (H, H), minval=-s2, maxval=s2, dtype=jnp.float32)
    inp["W2r_j2u"] = jax.random.uniform(ks[15], (H, H), minval=-s2, maxval=s2, dtype=jnp.float32)
    inp["b2_j2u"] = jnp.zeros((H,), dtype=jnp.float32)
    return inp


def _sage(x_src, x_dst, ei, Wl, bl, Wr):
    # PyG SAGEConv: mean aggregation of source features over incoming edges,
    # then lin_l(aggr) + lin_r(x_dst); bias lives in lin_l only.
    src = ei[0]
    dst = ei[1]
    n_dst = x_dst.shape[0]
    msg = jnp.take(x_src, src, axis=0)                       # gather [E, d]
    summ = jax.ops.segment_sum(msg, dst, num_segments=n_dst) # scatter-add
    cnt = jax.ops.segment_sum(jnp.ones((ei.shape[1],), dtype=x_src.dtype), dst, num_segments=n_dst)
    mean = summ / jnp.clip(cnt, 1.0, None)[:, None]
    return mean @ Wl.T + bl + x_dst @ Wr.T


def reference(x_user, x_job, edge_index_u2j, edge_index_j2u, edge_label_index,
              W1l_u2j, W1r_u2j, b1_u2j, W1l_j2u, W1r_j2u, b1_j2u,
              W2l_u2j, W2r_u2j, b2_u2j, W2l_j2u, W2r_j2u, b2_j2u):
    # hetero conv1 (aggr='sum' across edge types; each dst type has one incoming type)
    h_job = _sage(x_user, x_job, edge_index_u2j, W1l_u2j, b1_u2j, W1r_u2j)
    h_user = _sage(x_job, x_user, edge_index_j2u, W1l_j2u, b1_j2u, W1r_j2u)
    h_job = jax.nn.relu(h_job)
    h_user = jax.nn.relu(h_user)
    # hetero conv2
    z_job = _sage(h_user, h_job, edge_index_u2j, W2l_u2j, b2_u2j, W2r_u2j)
    z_user = _sage(h_job, h_user, edge_index_j2u, W2l_j2u, b2_j2u, W2r_j2u)
    # cosine-similarity decoder (torch eps=1e-8, clamps norms)
    a = jnp.take(z_user, edge_label_index[0], axis=0)
    b = jnp.take(z_job, edge_label_index[1], axis=0)
    num = jnp.sum(a * b, axis=1)
    na = jnp.clip(jnp.linalg.norm(a, axis=1), 1e-8, None)
    nb = jnp.clip(jnp.linalg.norm(b, axis=1), 1e-8, None)
    return num / (na * nb)

if __name__ == "__main__":
    import jax
    _d = setup_inputs()
    print(jax.jit(kernel)(*tuple(_d.values())))

</pallas_src>

<mosaic_0001>
#map = affine_map<(d0, d1) -> (0, 0)>
#map1 = affine_map<(d0, d1) -> (0)>
module attributes {stable_mosaic.version = 14 : i64} {
  func.func @_gather_pairs(%arg0: i32, %arg1: i32, %arg2: memref<5120x128xf32, #tpu.memory_space<hbm>>, %arg3: memref<5120x128xf32, #tpu.memory_space<hbm>>, %arg4: memref<65536xi32, #tpu.memory_space<hbm>>, %arg5: memref<65536xi32, #tpu.memory_space<hbm>>, %arg6: memref<65536x128xf32, #tpu.memory_space<hbm>>, %arg7: memref<65536x128xf32, #tpu.memory_space<hbm>>, %arg8: memref<128xi32, #tpu.memory_space<vmem>>, %arg9: memref<128xi32, #tpu.memory_space<vmem>>, %arg10: memref<128x128xf32, #tpu.memory_space<vmem>>, %arg11: memref<128x128xf32, #tpu.memory_space<vmem>>, %arg12: memref<!tpu.dma_semaphore, #tpu.memory_space<semaphore_mem>>, %arg13: memref<!tpu.dma_semaphore, #tpu.memory_space<semaphore_mem>>) attributes {dimension_semantics = [#tpu.dimension_semantics<core_parallel>, #tpu.dimension_semantics<subcore_parallel>], iteration_bounds = array<i64: 2, 16>, scalar_prefetch = 0 : i64, scratch_operands = 6 : i64, tpu.core_type = #tpu.core_type<sc_vector_subcore>, window_params = [{transform_indices = #map}, {transform_indices = #map}, {transform_indices = #map1}, {transform_indices = #map1}, {transform_indices = #map}, {transform_indices = #map}]} {
    %mul3A = arith.constant 16 : i32
    %mul3A_0 = arith.muli %arg0, %mul3A : i32
    %add3A = arith.addi %mul3A_0, %arg1 : i32
    %mul3A_1 = arith.constant 2048 : i32
    %mul3A_2 = arith.muli %add3A, %mul3A_1 : i32
    %scan3A = arith.constant 0 : i32
    %scan3A_3 = arith.constant 0 : i32
    %scan3A_4 = arith.constant 16 : i32
    %scan3A_5 = arith.addi %scan3A_3, %scan3A_4 : i32
    %scan3A_6 = arith.constant 1 : i32
    scf.for %scan3A_8 = %scan3A_3 to %scan3A_5 step %scan3A_6  : i32 {
      %mul3A_9 = arith.constant 128 : i32
      %mul3A_10 = arith.muli %scan3A_8, %mul3A_9 : i32
      %add3A_11 = arith.addi %mul3A_2, %mul3A_10 : i32
      "tpu.region"() ({
        %run_scoped3A = tpu.sem_alloc : memref<!tpu.dma_semaphore, #tpu.memory_space<semaphore_mem>>
        %dma_start3A_22 = tpu.memref_slice %arg4[%add3A_11] : memref<65536xi32, #tpu.memory_space<hbm>> -> memref<128xi32, #tpu.memory_space<hbm>>
        %dma_start3A_23 = tpu.memref_slice %arg4[%add3A_11] : memref<65536xi32, #tpu.memory_space<hbm>> -> memref<128xi32, #tpu.memory_space<hbm>>
        tpu.enqueue_dma source(%dma_start3A_23 : memref<128xi32, #tpu.memory_space<hbm>>) target(%arg8 : memref<128xi32, #tpu.memory_space<vmem>>) target_semaphore(%run_scoped3A : memref<!tpu.dma_semaphore, #tpu.memory_space<semaphore_mem>>)
        %dma_wait3A_24 = tpu.memref_slice %arg4[%add3A_11] : memref<65536xi32, #tpu.memory_space<hbm>> -> memref<128xi32, #tpu.memory_space<hbm>>
        %dma_wait3A_25 = tpu.memref_slice %arg4[%add3A_11] : memref<65536xi32, #tpu.memory_space<hbm>> -> memref<128xi32, #tpu.memory_space<hbm>>
        tpu.wait_dma2 semaphore(%run_scoped3A : memref<!tpu.dma_semaphore, #tpu.memory_space<semaphore_mem>>) src(%dma_wait3A_25 : memref<128xi32, #tpu.memory_space<hbm>>) dst(%arg8 : memref<128xi32, #tpu.memory_space<vmem>>)
        tpu.yield
      }) : () -> ()
      %dma_start3A = arith.constant 0 : i32
      %dma_start3A_12 = arith.constant 0 : i32
      %dma_start3A_13 = tpu.memref_slice %arg2[%dma_start3A, %dma_start3A_12] : memref<5120x128xf32, #tpu.memory_space<hbm>> -> memref<5120x128xf32, #tpu.memory_space<hbm>>
      tpu.enqueue_indirect_dma source(%dma_start3A_13 : memref<5120x128xf32, #tpu.memory_space<hbm>>) target(%arg10 : memref<128x128xf32, #tpu.memory_space<vmem>>) offsets(%arg8 : memref<128xi32, #tpu.memory_space<vmem>>) semaphore(%arg12 : memref<!tpu.dma_semaphore, #tpu.memory_space<semaphore_mem>>)
      "tpu.region"() ({
        %run_scoped3A = tpu.sem_alloc : memref<!tpu.dma_semaphore, #tpu.memory_space<semaphore_mem>>
        %dma_start3A_22 = tpu.memref_slice %arg5[%add3A_11] : memref<65536xi32, #tpu.memory_space<hbm>> -> memref<128xi32, #tpu.memory_space<hbm>>
        %dma_start3A_23 = tpu.memref_slice %arg5[%add3A_11] : memref<65536xi32, #tpu.memory_space<hbm>> -> memref<128xi32, #tpu.memory_space<hbm>>
        tpu.enqueue_dma source(%dma_start3A_23 : memref<128xi32, #tpu.memory_space<hbm>>) target(%arg9 : memref<128xi32, #tpu.memory_space<vmem>>) target_semaphore(%run_scoped3A : memref<!tpu.dma_semaphore, #tpu.memory_space<semaphore_mem>>)
        %dma_wait3A_24 = tpu.memref_slice %arg5[%add3A_11] : memref<65536xi32, #tpu.memory_space<hbm>> -> memref<128xi32, #tpu.memory_space<hbm>>
        %dma_wait3A_25 = tpu.memref_slice %arg5[%add3A_11] : memref<65536xi32, #tpu.memory_space<hbm>> -> memref<128xi32, #tpu.memory_space<hbm>>
        tpu.wait_dma2 semaphore(%run_scoped3A : memref<!tpu.dma_semaphore, #tpu.memory_space<semaphore_mem>>) src(%dma_wait3A_25 : memref<128xi32, #tpu.memory_space<hbm>>) dst(%arg9 : memref<128xi32, #tpu.memory_space<vmem>>)
        tpu.yield
      }) : () -> ()
      %dma_start3A_14 = arith.constant 0 : i32
      %dma_start3A_15 = arith.constant 0 : i32
      %dma_start3A_16 = tpu.memref_slice %arg3[%dma_start3A_14, %dma_start3A_15] : memref<5120x128xf32, #tpu.memory_space<hbm>> -> memref<5120x128xf32, #tpu.memory_space<hbm>>
      tpu.enqueue_indirect_dma source(%dma_start3A_16 : memref<5120x128xf32, #tpu.memory_space<hbm>>) target(%arg11 : memref<128x128xf32, #tpu.memory_space<vmem>>) offsets(%arg9 : memref<128xi32, #tpu.memory_space<vmem>>) semaphore(%arg13 : memref<!tpu.dma_semaphore, #tpu.memory_space<semaphore_mem>>)
      %dma_wait3A = arith.constant 0 : i32
      %dma_wait3A_17 = arith.constant 0 : i32
      %dma_wait3A_18 = tpu.memref_slice %arg2[%dma_wait3A, %dma_wait3A_17] : memref<5120x128xf32, #tpu.memory_space<hbm>> -> memref<5120x128xf32, #tpu.memory_space<hbm>>
      tpu.wait_indirect_dma semaphore(%arg12 : memref<!tpu.dma_semaphore, #tpu.memory_space<semaphore_mem>>) src(%dma_wait3A_18 : memref<5120x128xf32, #tpu.memory_space<hbm>>) dst(%arg10 : memref<128x128xf32, #tpu.memory_space<vmem>>)
      "tpu.region"() ({
        %run_scoped3A = tpu.sem_alloc : memref<!tpu.dma_semaphore, #tpu.memory_space<semaphore_mem>>
        %dma_start3A_22 = arith.constant 0 : i32
        %dma_start3A_23 = tpu.memref_slice %arg6[%add3A_11, %dma_start3A_22] : memref<65536x128xf32, #tpu.memory_space<hbm>> -> memref<128x128xf32, #tpu.memory_space<hbm>>
        %dma_start3A_24 = arith.constant 0 : i32
        %dma_start3A_25 = tpu.memref_slice %arg6[%add3A_11, %dma_start3A_24] : memref<65536x128xf32, #tpu.memory_space<hbm>> -> memref<128x128xf32, #tpu.memory_space<hbm>>
        tpu.enqueue_dma source(%arg10 : memref<128x128xf32, #tpu.memory_space<vmem>>) target(%dma_start3A_25 : memref<128x128xf32, #tpu.memory_space<hbm>>) target_semaphore(%run_scoped3A : memref<!tpu.dma_semaphore, #tpu.memory_space<semaphore_mem>>)
        %dma_wait3A_26 = arith.constant 0 : i32
        %dma_wait3A_27 = tpu.memref_slice %arg6[%add3A_11, %dma_wait3A_26] : memref<65536x128xf32, #tpu.memory_space<hbm>> -> memref<128x128xf32, #tpu.memory_space<hbm>>
        %dma_wait3A_28 = arith.constant 0 : i32
        %dma_wait3A_29 = tpu.memref_slice %arg6[%add3A_11, %dma_wait3A_28] : memref<65536x128xf32, #tpu.memory_space<hbm>> -> memref<128x128xf32, #tpu.memory_space<hbm>>
        tpu.wait_dma2 semaphore(%run_scoped3A : memref<!tpu.dma_semaphore, #tpu.memory_space<semaphore_mem>>) src(%arg10 : memref<128x128xf32, #tpu.memory_space<vmem>>) dst(%dma_wait3A_29 : memref<128x128xf32, #tpu.memory_space<hbm>>)
        tpu.yield
      }) : () -> ()
      %dma_wait3A_19 = arith.constant 0 : i32
      %dma_wait3A_20 = arith.constant 0 : i32
      %dma_wait3A_21 = tpu.memref_slice %arg3[%dma_wait3A_19, %dma_wait3A_20] : memref<5120x128xf32, #tpu.memory_space<hbm>> -> memref<5120x128xf32, #tpu.memory_space<hbm>>
      tpu.wait_indirect_dma semaphore(%arg13 : memref<!tpu.dma_semaphore, #tpu.memory_space<semaphore_mem>>) src(%dma_wait3A_21 : memref<5120x128xf32, #tpu.memory_space<hbm>>) dst(%arg11 : memref<128x128xf32, #tpu.memory_space<vmem>>)
      "tpu.region"() ({
        %run_scoped3A = tpu.sem_alloc : memref<!tpu.dma_semaphore, #tpu.memory_space<semaphore_mem>>
        %dma_start3A_22 = arith.constant 0 : i32
        %dma_start3A_23 = tpu.memref_slice %arg7[%add3A_11, %dma_start3A_22] : memref<65536x128xf32, #tpu.memory_space<hbm>> -> memref<128x128xf32, #tpu.memory_space<hbm>>
        %dma_start3A_24 = arith.constant 0 : i32
        %dma_start3A_25 = tpu.memref_slice %arg7[%add3A_11, %dma_start3A_24] : memref<65536x128xf32, #tpu.memory_space<hbm>> -> memref<128x128xf32, #tpu.memory_space<hbm>>
        tpu.enqueue_dma source(%arg11 : memref<128x128xf32, #tpu.memory_space<vmem>>) target(%dma_start3A_25 : memref<128x128xf32, #tpu.memory_space<hbm>>) target_semaphore(%run_scoped3A : memref<!tpu.dma_semaphore, #tpu.memory_space<semaphore_mem>>)
        %dma_wait3A_26 = arith.constant 0 : i32
        %dma_wait3A_27 = tpu.memref_slice %arg7[%add3A_11, %dma_wait3A_26] : memref<65536x128xf32, #tpu.memory_space<hbm>> -> memref<128x128xf32, #tpu.memory_space<hbm>>
        %dma_wait3A_28 = arith.constant 0 : i32
        %dma_wait3A_29 = tpu.memref_slice %arg7[%add3A_11, %dma_wait3A_28] : memref<65536x128xf32, #tpu.memory_space<hbm>> -> memref<128x128xf32, #tpu.memory_space<hbm>>
        tpu.wait_dma2 semaphore(%run_scoped3A : memref<!tpu.dma_semaphore, #tpu.memory_space<semaphore_mem>>) src(%arg11 : memref<128x128xf32, #tpu.memory_space<vmem>>) dst(%dma_wait3A_29 : memref<128x128xf32, #tpu.memory_space<hbm>>)
        tpu.yield
      }) : () -> ()
    }
    %scan3A_7 = arith.constant 16 : i32
    return
  }
}

#map = affine_map<(d0, d1) -> (0, 0)>
#map1 = affine_map<(d0, d1) -> (0, 0, 0)>
module attributes {stable_mosaic.version = 14 : i64} {
  func.func @agg(%arg0: i32, %arg1: i32, %arg2: memref<5120x128xf32, #tpu.memory_space<hbm>>, %arg3: memref<5120x128xf32, #tpu.memory_space<hbm>>, %arg4: memref<16x158x128xi32, #tpu.memory_space<hbm>>, %arg5: memref<16x158x128xi32, #tpu.memory_space<hbm>>, %arg6: memref<16x158x128xi32, #tpu.memory_space<hbm>>, %arg7: memref<16x158x128xi32, #tpu.memory_space<hbm>>, %arg8: memref<5120x128xf32, #tpu.memory_space<hbm>>, %arg9: memref<128x128xf32, #tpu.memory_space<hbm>>, %arg10: memref<5120x128xf32, #tpu.memory_space<hbm>>, %arg11: memref<5120x128xf32, #tpu.memory_space<hbm>>, %arg12: memref<5120x128xf32, #tpu.memory_space<hbm>>, %arg13: memref<5120x128xf32, #tpu.memory_space<hbm>>, %arg14: memref<5120x128xf32, #tpu.memory_space<vmem_shared>>, %arg15: memref<158x128xi32, #tpu.memory_space<vmem>>, %arg16: memref<158x128xi32, #tpu.memory_space<vmem>>, %arg17: memref<128x128xf32, #tpu.memory_space<vmem>>, %arg18: memref<128x128xf32, #tpu.memory_space<vmem>>, %arg19: memref<!tpu.dma_semaphore, #tpu.memory_space<semaphore_mem>>, %arg20: memref<!tpu.dma_semaphore, #tpu.memory_space<semaphore_mem>>, %arg21: memref<128x128xf32, #tpu.memory_space<vmem>>) attributes {dimension_semantics = [#tpu.dimension_semantics<core_parallel>, #tpu.dimension_semantics<subcore_parallel>], iteration_bounds = array<i64: 2, 16>, scalar_prefetch = 0 : i64, scratch_operands = 8 : i64, tpu.core_type = #tpu.core_type<sc_vector_subcore>, window_params = [{transform_indices = #map}, {transform_indices = #map}, {transform_indices = #map1}, {transform_indices = #map1}, {transform_indices = #map1}, {transform_indices = #map1}, {transform_indices = #map}, {transform_indices = #map}, {transform_indices = #map}, {transform_indices = #map}, {transform_indices = #map}, {transform_indices = #map}]} {
    %mul3A = arith.constant 320 : i32
    %mul3A_0 = arith.muli %arg1, %mul3A : i32
    %eq3A = arith.constant 0 : i32
    %eq3A_1 = arith.cmpi eq, %arg0, %eq3A : i32
    %convert_element_type3A = arith.extui %eq3A_1 : i1 to i32
    %cond3A = arith.constant 0 : i32
    %cond3A_2 = arith.cmpi ne, %convert_element_type3A, %cond3A : i32
    scf.if %cond3A_2 {
      "tpu.region"() ({
        %run_scoped3A = tpu.sem_alloc : memref<!tpu.dma_semaphore, #tpu.memory_space<semaphore_mem>>
        %dma_start3A_35 = arith.constant 0 : i32
        %dma_start3A_36 = arith.constant 0 : i32
        %dma_start3A_37 = tpu.memref_slice %arg4[%arg1, %dma_start3A_35, %dma_start3A_36] : memref<16x158x128xi32, #tpu.memory_space<hbm>> -> memref<1x158x128xi32, #tpu.memory_space<hbm>>
        %dma_start3A_38 = tpu.memref_squeeze %dma_start3A_37 : memref<1x158x128xi32, #tpu.memory_space<hbm>> -> memref<158x128xi32, #tpu.memory_space<hbm>>
        %dma_start3A_39 = arith.constant 0 : i32
        %dma_start3A_40 = arith.constant 0 : i32
        %dma_start3A_41 = tpu.memref_slice %arg4[%arg1, %dma_start3A_39, %dma_start3A_40] : memref<16x158x128xi32, #tpu.memory_space<hbm>> -> memref<1x158x128xi32, #tpu.memory_space<hbm>>
        %dma_start3A_42 = tpu.memref_squeeze %dma_start3A_41 : memref<1x158x128xi32, #tpu.memory_space<hbm>> -> memref<158x128xi32, #tpu.memory_space<hbm>>
        tpu.enqueue_dma source(%dma_start3A_42 : memref<158x128xi32, #tpu.memory_space<hbm>>) target(%arg15 : memref<158x128xi32, #tpu.memory_space<vmem>>) target_semaphore(%run_scoped3A : memref<!tpu.dma_semaphore, #tpu.memory_space<semaphore_mem>>)
        %dma_wait3A = arith.constant 0 : i32
        %dma_wait3A_43 = arith.constant 0 : i32
        %dma_wait3A_44 = tpu.memref_slice %arg4[%arg1, %dma_wait3A, %dma_wait3A_43] : memref<16x158x128xi32, #tpu.memory_space<hbm>> -> memref<1x158x128xi32, #tpu.memory_space<hbm>>
        %dma_wait3A_45 = tpu.memref_squeeze %dma_wait3A_44 : memref<1x158x128xi32, #tpu.memory_space<hbm>> -> memref<158x128xi32, #tpu.memory_space<hbm>>
        %dma_wait3A_46 = arith.constant 0 : i32
        %dma_wait3A_47 = arith.constant 0 : i32
        %dma_wait3A_48 = tpu.memref_slice %arg4[%arg1, %dma_wait3A_46, %dma_wait3A_47] : memref<16x158x128xi32, #tpu.memory_space<hbm>> -> memref<1x158x128xi32, #tpu.memory_space<hbm>>
        %dma_wait3A_49 = tpu.memref_squeeze %dma_wait3A_48 : memref<1x158x128xi32, #tpu.memory_space<hbm>> -> memref<158x128xi32, #tpu.memory_space<hbm>>
        tpu.wait_dma2 semaphore(%run_scoped3A : memref<!tpu.dma_semaphore, #tpu.memory_space<semaphore_mem>>) src(%dma_wait3A_49 : memref<158x128xi32, #tpu.memory_space<hbm>>) dst(%arg15 : memref<158x128xi32, #tpu.memory_space<vmem>>)
        tpu.yield
      }) : () -> ()
      "tpu.region"() ({
        %run_scoped3A = tpu.sem_alloc : memref<!tpu.dma_semaphore, #tpu.memory_space<semaphore_mem>>
        %dma_start3A_35 = arith.constant 0 : i32
        %dma_start3A_36 = arith.constant 0 : i32
        %dma_start3A_37 = tpu.memref_slice %arg5[%arg1, %dma_start3A_35, %dma_start3A_36] : memref<16x158x128xi32, #tpu.memory_space<hbm>> -> memref<1x158x128xi32, #tpu.memory_space<hbm>>
        %dma_start3A_38 = tpu.memref_squeeze %dma_start3A_37 : memref<1x158x128xi32, #tpu.memory_space<hbm>> -> memref<158x128xi32, #tpu.memory_space<hbm>>
        %dma_start3A_39 = arith.constant 0 : i32
        %dma_start3A_40 = arith.constant 0 : i32
        %dma_start3A_41 = tpu.memref_slice %arg5[%arg1, %dma_start3A_39, %dma_start3A_40] : memref<16x158x128xi32, #tpu.memory_space<hbm>> -> memref<1x158x128xi32, #tpu.memory_space<hbm>>
        %dma_start3A_42 = tpu.memref_squeeze %dma_start3A_41 : memref<1x158x128xi32, #tpu.memory_space<hbm>> -> memref<158x128xi32, #tpu.memory_space<hbm>>
        tpu.enqueue_dma source(%dma_start3A_42 : memref<158x128xi32, #tpu.memory_space<hbm>>) target(%arg16 : memref<158x128xi32, #tpu.memory_space<vmem>>) target_semaphore(%run_scoped3A : memref<!tpu.dma_semaphore, #tpu.memory_space<semaphore_mem>>)
        %dma_wait3A = arith.constant 0 : i32
        %dma_wait3A_43 = arith.constant 0 : i32
        %dma_wait3A_44 = tpu.memref_slice %arg5[%arg1, %dma_wait3A, %dma_wait3A_43] : memref<16x158x128xi32, #tpu.memory_space<hbm>> -> memref<1x158x128xi32, #tpu.memory_space<hbm>>
        %dma_wait3A_45 = tpu.memref_squeeze %dma_wait3A_44 : memref<1x158x128xi32, #tpu.memory_space<hbm>> -> memref<158x128xi32, #tpu.memory_space<hbm>>
        %dma_wait3A_46 = arith.constant 0 : i32
        %dma_wait3A_47 = arith.constant 0 : i32
        %dma_wait3A_48 = tpu.memref_slice %arg5[%arg1, %dma_wait3A_46, %dma_wait3A_47] : memref<16x158x128xi32, #tpu.memory_space<hbm>> -> memref<1x158x128xi32, #tpu.memory_space<hbm>>
        %dma_wait3A_49 = tpu.memref_squeeze %dma_wait3A_48 : memref<1x158x128xi32, #tpu.memory_space<hbm>> -> memref<158x128xi32, #tpu.memory_space<hbm>>
        tpu.wait_dma2 semaphore(%run_scoped3A : memref<!tpu.dma_semaphore, #tpu.memory_space<semaphore_mem>>) src(%dma_wait3A_49 : memref<158x128xi32, #tpu.memory_space<hbm>>) dst(%arg16 : memref<158x128xi32, #tpu.memory_space<vmem>>)
        tpu.yield
      }) : () -> ()
      "tpu.region"() ({
        %run_scoped3A = tpu.sem_alloc : memref<!tpu.dma_semaphore, #tpu.memory_space<semaphore_mem>>
        %dma_start3A_35 = arith.constant 0 : i32
        %dma_start3A_36 = tpu.memref_slice %arg14[%mul3A_0, %dma_start3A_35] : memref<5120x128xf32, #tpu.memory_space<vmem_shared>> -> memref<320x128xf32, #tpu.memory_space<vmem_shared>>
        %dma_start3A_37 = arith.constant 0 : i32
        %dma_start3A_38 = tpu.memref_slice %arg8[%mul3A_0, %dma_start3A_37] : memref<5120x128xf32, #tpu.memory_space<hbm>> -> memref<320x128xf32, #tpu.memory_space<hbm>>
        tpu.enqueue_dma source(%dma_start3A_38 : memref<320x128xf32, #tpu.memory_space<hbm>>) target(%dma_start3A_36 : memref<320x128xf32, #tpu.memory_space<vmem_shared>>) target_semaphore(%run_scoped3A : memref<!tpu.dma_semaphore, #tpu.memory_space<semaphore_mem>>)
        %dma_wait3A = arith.constant 0 : i32
        %dma_wait3A_39 = tpu.memref_slice %arg14[%mul3A_0, %dma_wait3A] : memref<5120x128xf32, #tpu.memory_space<vmem_shared>> -> memref<320x128xf32, #tpu.memory_space<vmem_shared>>
        %dma_wait3A_40 = arith.constant 0 : i32
        %dma_wait3A_41 = tpu.memref_slice %arg8[%mul3A_0, %dma_wait3A_40] : memref<5120x128xf32, #tpu.memory_space<hbm>> -> memref<320x128xf32, #tpu.memory_space<hbm>>
        tpu.wait_dma2 semaphore(%run_scoped3A : memref<!tpu.dma_semaphore, #tpu.memory_space<semaphore_mem>>) src(%dma_wait3A_41 : memref<320x128xf32, #tpu.memory_space<hbm>>) dst(%dma_wait3A_39 : memref<320x128xf32, #tpu.memory_space<vmem_shared>>)
        tpu.yield
      }) : () -> ()
      "tpu.region"() ({
        %run_scoped3A = tpu.sem_alloc : memref<!tpu.dma_semaphore, #tpu.memory_space<semaphore_mem>>
        tpu.enqueue_dma source(%arg9 : memref<128x128xf32, #tpu.memory_space<hbm>>) target(%arg21 : memref<128x128xf32, #tpu.memory_space<vmem>>) target_semaphore(%run_scoped3A : memref<!tpu.dma_semaphore, #tpu.memory_space<semaphore_mem>>)
        tpu.wait_dma2 semaphore(%run_scoped3A : memref<!tpu.dma_semaphore, #tpu.memory_space<semaphore_mem>>) src(%arg9 : memref<128x128xf32, #tpu.memory_space<hbm>>) dst(%arg21 : memref<128x128xf32, #tpu.memory_space<vmem>>)
        tpu.yield
      }) : () -> ()
      %barrier3A = arith.constant 0 : index
      tpu.barrier barrier_id(%barrier3A)
      %dma_start3A = arith.constant 0 : i32
      %dma_start3A_8 = arith.constant 0 : i32
      %dma_start3A_9 = tpu.memref_slice %arg15[%dma_start3A, %dma_start3A_8] : memref<158x128xi32, #tpu.memory_space<vmem>> -> memref<1x128xi32, #tpu.memory_space<vmem>>
      %dma_start3A_10 = tpu.memref_squeeze %dma_start3A_9 : memref<1x128xi32, #tpu.memory_space<vmem>> -> memref<128xi32, #tpu.memory_space<vmem>>
      %dma_start3A_11 = arith.constant 0 : i32
      %dma_start3A_12 = arith.constant 0 : i32
      %dma_start3A_13 = tpu.memref_slice %arg2[%dma_start3A_11, %dma_start3A_12] : memref<5120x128xf32, #tpu.memory_space<hbm>> -> memref<5120x128xf32, #tpu.memory_space<hbm>>
      tpu.enqueue_indirect_dma source(%dma_start3A_13 : memref<5120x128xf32, #tpu.memory_space<hbm>>) target(%arg17 : memref<128x128xf32, #tpu.memory_space<vmem>>) offsets(%dma_start3A_10 : memref<128xi32, #tpu.memory_space<vmem>>) semaphore(%arg19 : memref<!tpu.dma_semaphore, #tpu.memory_space<semaphore_mem>>)
      %dma_start3A_14 = arith.constant 1 : i32
      %dma_start3A_15 = arith.constant 0 : i32
      %dma_start3A_16 = tpu.memref_slice %arg15[%dma_start3A_14, %dma_start3A_15] : memref<158x128xi32, #tpu.memory_space<vmem>> -> memref<1x128xi32, #tpu.memory_space<vmem>>
      %dma_start3A_17 = tpu.memref_squeeze %dma_start3A_16 : memref<1x128xi32, #tpu.memory_space<vmem>> -> memref<128xi32, #tpu.memory_space<vmem>>
      %dma_start3A_18 = arith.constant 0 : i32
      %dma_start3A_19 = arith.constant 0 : i32
      %dma_start3A_20 = tpu.memref_slice %arg2[%dma_start3A_18, %dma_start3A_19] : memref<5120x128xf32, #tpu.memory_space<hbm>> -> memref<5120x128xf32, #tpu.memory_space<hbm>>
      tpu.enqueue_indirect_dma source(%dma_start3A_20 : memref<5120x128xf32, #tpu.memory_space<hbm>>) target(%arg18 : memref<128x128xf32, #tpu.memory_space<vmem>>) offsets(%dma_start3A_17 : memref<128xi32, #tpu.memory_space<vmem>>) semaphore(%arg20 : memref<!tpu.dma_semaphore, #tpu.memory_space<semaphore_mem>>)
      %scan3A = arith.constant 0 : i32
      %scan3A_21 = arith.constant 0 : i32
      %scan3A_22 = arith.constant 79 : i32
      %scan3A_23 = arith.addi %scan3A_21, %scan3A_22 : i32
      %scan3A_24 = arith.constant 1 : i32
      scf.for %scan3A_35 = %scan3A_21 to %scan3A_23 step %scan3A_24  : i32 {
        %mul3A_36 = arith.constant 2 : i32
        %mul3A_37 = arith.muli %mul3A_36, %scan3A_35 : i32
        %mul3A_38 = arith.constant 2 : i32
        %mul3A_39 = arith.muli %mul3A_38, %scan3A_35 : i32
        %add3A = arith.constant 1 : i32
        %add3A_40 = arith.addi %mul3A_39, %add3A : i32
        %dma_wait3A = arith.constant 0 : i32
        %dma_wait3A_41 = tpu.memref_slice %arg15[%mul3A_37, %dma_wait3A] : memref<158x128xi32, #tpu.memory_space<vmem>> -> memref<1x128xi32, #tpu.memory_space<vmem>>
        %dma_wait3A_42 = tpu.memref_squeeze %dma_wait3A_41 : memref<1x128xi32, #tpu.memory_space<vmem>> -> memref<128xi32, #tpu.memory_space<vmem>>
        %dma_wait3A_43 = arith.constant 0 : i32
        %dma_wait3A_44 = arith.constant 0 : i32
        %dma_wait3A_45 = tpu.memref_slice %arg2[%dma_wait3A_43, %dma_wait3A_44] : memref<5120x128xf32, #tpu.memory_space<hbm>> -> memref<5120x128xf32, #tpu.memory_space<hbm>>
        tpu.wait_indirect_dma semaphore(%arg19 : memref<!tpu.dma_semaphore, #tpu.memory_space<semaphore_mem>>) src(%dma_wait3A_45 : memref<5120x128xf32, #tpu.memory_space<hbm>>) dst(%arg17 : memref<128x128xf32, #tpu.memory_space<vmem>>)
        "tpu.region"() ({
          %run_scoped3A = tpu.sem_alloc : memref<!tpu.dma_semaphore, #tpu.memory_space<semaphore_mem>>
          %dma_start3A_65 = arith.constant 0 : i32
          %dma_start3A_66 = tpu.memref_slice %arg16[%mul3A_37, %dma_start3A_65] : memref<158x128xi32, #tpu.memory_space<vmem>> -> memref<1x128xi32, #tpu.memory_space<vmem>>
          %dma_start3A_67 = tpu.memref_squeeze %dma_start3A_66 : memref<1x128xi32, #tpu.memory_space<vmem>> -> memref<128xi32, #tpu.memory_space<vmem>>
          %dma_start3A_68 = arith.constant 0 : i32
          %dma_start3A_69 = arith.constant 0 : i32
          %dma_start3A_70 = tpu.memref_slice %arg14[%dma_start3A_68, %dma_start3A_69] : memref<5120x128xf32, #tpu.memory_space<vmem_shared>> -> memref<5120x128xf32, #tpu.memory_space<vmem_shared>>
          tpu.enqueue_indirect_dma source(%arg17 : memref<128x128xf32, #tpu.memory_space<vmem>>) target(%dma_start3A_70 : memref<5120x128xf32, #tpu.memory_space<vmem_shared>>) offsets(%dma_start3A_67 : memref<128xi32, #tpu.memory_space<vmem>>) semaphore(%run_scoped3A : memref<!tpu.dma_semaphore, #tpu.memory_space<semaphore_mem>>) {add = true}
          %dma_wait3A_71 = arith.constant 0 : i32
          %dma_wait3A_72 = tpu.memref_slice %arg16[%mul3A_37, %dma_wait3A_71] : memref<158x128xi32, #tpu.memory_space<vmem>> -> memref<1x128xi32, #tpu.memory_space<vmem>>
          %dma_wait3A_73 = tpu.memref_squeeze %dma_wait3A_72 : memref<1x128xi32, #tpu.memory_space<vmem>> -> memref<128xi32, #tpu.memory_space<vmem>>
          %dma_wait3A_74 = arith.constant 0 : i32
          %dma_wait3A_75 = arith.constant 0 : i32
          %dma_wait3A_76 = tpu.memref_slice %arg14[%dma_wait3A_74, %dma_wait3A_75] : memref<5120x128xf32, #tpu.memory_space<vmem_shared>> -> memref<5120x128xf32, #tpu.memory_space<vmem_shared>>
          tpu.wait_indirect_dma semaphore(%run_scoped3A : memref<!tpu.dma_semaphore, #tpu.memory_space<semaphore_mem>>) src(%arg17 : memref<128x128xf32, #tpu.memory_space<vmem>>) dst(%dma_wait3A_76 : memref<5120x128xf32, #tpu.memory_space<vmem_shared>>)
          tpu.yield
        }) : () -> ()
        %add3A_46 = arith.constant 2 : i32
        %add3A_47 = arith.addi %mul3A_37, %add3A_46 : i32
        %lt3A = arith.constant 158 : i32
        %lt3A_48 = arith.cmpi slt, %add3A_47, %lt3A : i32
        %convert_element_type3A_49 = arith.extui %lt3A_48 : i1 to i32
        %cond3A_50 = arith.constant 0 : i32
        %cond3A_51 = arith.cmpi ne, %convert_element_type3A_49, %cond3A_50 : i32
        scf.if %cond3A_51 {
          %add3A_65 = arith.constant 2 : i32
          %add3A_66 = arith.addi %mul3A_37, %add3A_65 : i32
          %dma_start3A_67 = arith.constant 0 : i32
          %dma_start3A_68 = tpu.memref_slice %arg15[%add3A_66, %dma_start3A_67] : memref<158x128xi32, #tpu.memory_space<vmem>> -> memref<1x128xi32, #tpu.memory_space<vmem>>
          %dma_start3A_69 = tpu.memref_squeeze %dma_start3A_68 : memref<1x128xi32, #tpu.memory_space<vmem>> -> memref<128xi32, #tpu.memory_space<vmem>>
          %dma_start3A_70 = arith.constant 0 : i32
          %dma_start3A_71 = arith.constant 0 : i32
          %dma_start3A_72 = tpu.memref_slice %arg2[%dma_start3A_70, %dma_start3A_71] : memref<5120x128xf32, #tpu.memory_space<hbm>> -> memref<5120x128xf32, #tpu.memory_space<hbm>>
          tpu.enqueue_indirect_dma source(%dma_start3A_72 : memref<5120x128xf32, #tpu.memory_space<hbm>>) target(%arg17 : memref<128x128xf32, #tpu.memory_space<vmem>>) offsets(%dma_start3A_69 : memref<128xi32, #tpu.memory_space<vmem>>) semaphore(%arg19 : memref<!tpu.dma_semaphore, #tpu.memory_space<semaphore_mem>>)
        } else {
        }
        %dma_wait3A_52 = arith.constant 0 : i32
        %dma_wait3A_53 = tpu.memref_slice %arg15[%add3A_40, %dma_wait3A_52] : memref<158x128xi32, #tpu.memory_space<vmem>> -> memref<1x128xi32, #tpu.memory_space<vmem>>
        %dma_wait3A_54 = tpu.memref_squeeze %dma_wait3A_53 : memref<1x128xi32, #tpu.memory_space<vmem>> -> memref<128xi32, #tpu.memory_space<vmem>>
        %dma_wait3A_55 = arith.constant 0 : i32
        %dma_wait3A_56 = arith.constant 0 : i32
        %dma_wait3A_57 = tpu.memref_slice %arg2[%dma_wait3A_55, %dma_wait3A_56] : memref<5120x128xf32, #tpu.memory_space<hbm>> -> memref<5120x128xf32, #tpu.memory_space<hbm>>
        tpu.wait_indirect_dma semaphore(%arg20 : memref<!tpu.dma_semaphore, #tpu.memory_space<semaphore_mem>>) src(%dma_wait3A_57 : memref<5120x128xf32, #tpu.memory_space<hbm>>) dst(%arg18 : memref<128x128xf32, #tpu.memory_space<vmem>>)
        "tpu.region"() ({
          %run_scoped3A = tpu.sem_alloc : memref<!tpu.dma_semaphore, #tpu.memory_space<semaphore_mem>>
          %dma_start3A_65 = arith.constant 0 : i32
          %dma_start3A_66 = tpu.memref_slice %arg16[%add3A_40, %dma_start3A_65] : memref<158x128xi32, #tpu.memory_space<vmem>> -> memref<1x128xi32, #tpu.memory_space<vmem>>
          %dma_start3A_67 = tpu.memref_squeeze %dma_start3A_66 : memref<1x128xi32, #tpu.memory_space<vmem>> -> memref<128xi32, #tpu.memory_space<vmem>>
          %dma_start3A_68 = arith.constant 0 : i32
          %dma_start3A_69 = arith.constant 0 : i32
          %dma_start3A_70 = tpu.memref_slice %arg14[%dma_start3A_68, %dma_start3A_69] : memref<5120x128xf32, #tpu.memory_space<vmem_shared>> -> memref<5120x128xf32, #tpu.memory_space<vmem_shared>>
          tpu.enqueue_indirect_dma source(%arg18 : memref<128x128xf32, #tpu.memory_space<vmem>>) target(%dma_start3A_70 : memref<5120x128xf32, #tpu.memory_space<vmem_shared>>) offsets(%dma_start3A_67 : memref<128xi32, #tpu.memory_space<vmem>>) semaphore(%run_scoped3A : memref<!tpu.dma_semaphore, #tpu.memory_space<semaphore_mem>>) {add = true}
          %dma_wait3A_71 = arith.constant 0 : i32
          %dma_wait3A_72 = tpu.memref_slice %arg16[%add3A_40, %dma_wait3A_71] : memref<158x128xi32, #tpu.memory_space<vmem>> -> memref<1x128xi32, #tpu.memory_space<vmem>>
          %dma_wait3A_73 = tpu.memref_squeeze %dma_wait3A_72 : memref<1x128xi32, #tpu.memory_space<vmem>> -> memref<128xi32, #tpu.memory_space<vmem>>
          %dma_wait3A_74 = arith.constant 0 : i32
          %dma_wait3A_75 = arith.constant 0 : i32
          %dma_wait3A_76 = tpu.memref_slice %arg14[%dma_wait3A_74, %dma_wait3A_75] : memref<5120x128xf32, #tpu.memory_space<vmem_shared>> -> memref<5120x128xf32, #tpu.memory_space<vmem_shared>>
          tpu.wait_indirect_dma semaphore(%run_scoped3A : memref<!tpu.dma_semaphore, #tpu.memory_space<semaphore_mem>>) src(%arg18 : memref<128x128xf32, #tpu.memory_space<vmem>>) dst(%dma_wait3A_76 : memref<5120x128xf32, #tpu.memory_space<vmem_shared>>)
          tpu.yield
        }) : () -> ()
        %add3A_58 = arith.constant 2 : i32
        %add3A_59 = arith.addi %add3A_40, %add3A_58 : i32
        %lt3A_60 = arith.constant 158 : i32
        %lt3A_61 = arith.cmpi slt, %add3A_59, %lt3A_60 : i32
        %convert_element_type3A_62 = arith.extui %lt3A_61 : i1 to i32
        %cond3A_63 = arith.constant 0 : i32
        %cond3A_64 = arith.cmpi ne, %convert_element_type3A_62, %cond3A_63 : i32
        scf.if %cond3A_64 {
          %add3A_65 = arith.constant 2 : i32
          %add3A_66 = arith.addi %add3A_40, %add3A_65 : i32
          %dma_start3A_67 = arith.constant 0 : i32
          %dma_start3A_68 = tpu.memref_slice %arg15[%add3A_66, %dma_start3A_67] : memref<158x128xi32, #tpu.memory_space<vmem>> -> memref<1x128xi32, #tpu.memory_space<vmem>>
          %dma_start3A_69 = tpu.memref_squeeze %dma_start3A_68 : memref<1x128xi32, #tpu.memory_space<vmem>> -> memref<128xi32, #tpu.memory_space<vmem>>
          %dma_start3A_70 = arith.constant 0 : i32
          %dma_start3A_71 = arith.constant 0 : i32
          %dma_start3A_72 = tpu.memref_slice %arg2[%dma_start3A_70, %dma_start3A_71] : memref<5120x128xf32, #tpu.memory_space<hbm>> -> memref<5120x128xf32, #tpu.memory_space<hbm>>
          tpu.enqueue_indirect_dma source(%dma_start3A_72 : memref<5120x128xf32, #tpu.memory_space<hbm>>) target(%arg18 : memref<128x128xf32, #tpu.memory_space<vmem>>) offsets(%dma_start3A_69 : memref<128xi32, #tpu.memory_space<vmem>>) semaphore(%arg20 : memref<!tpu.dma_semaphore, #tpu.memory_space<semaphore_mem>>)
        } else {
        }
      }
      %scan3A_25 = arith.constant 79 : i32
      %barrier3A_26 = arith.constant 0 : index
      tpu.barrier barrier_id(%barrier3A_26)
      "tpu.region"() ({
        %run_scoped3A = tpu.sem_alloc : memref<!tpu.dma_semaphore, #tpu.memory_space<semaphore_mem>>
        %dma_start3A_35 = arith.constant 0 : i32
        %dma_start3A_36 = tpu.memref_slice %arg10[%mul3A_0, %dma_start3A_35] : memref<5120x128xf32, #tpu.memory_space<hbm>> -> memref<320x128xf32, #tpu.memory_space<hbm>>
        %dma_start3A_37 = arith.constant 0 : i32
        %dma_start3A_38 = tpu.memref_slice %arg14[%mul3A_0, %dma_start3A_37] : memref<5120x128xf32, #tpu.memory_space<vmem_shared>> -> memref<320x128xf32, #tpu.memory_space<vmem_shared>>
        tpu.enqueue_dma source(%dma_start3A_38 : memref<320x128xf32, #tpu.memory_space<vmem_shared>>) target(%dma_start3A_36 : memref<320x128xf32, #tpu.memory_space<hbm>>) target_semaphore(%run_scoped3A : memref<!tpu.dma_semaphore, #tpu.memory_space<semaphore_mem>>)
        %dma_wait3A = arith.constant 0 : i32
        %dma_wait3A_39 = tpu.memref_slice %arg10[%mul3A_0, %dma_wait3A] : memref<5120x128xf32, #tpu.memory_space<hbm>> -> memref<320x128xf32, #tpu.memory_space<hbm>>
        %dma_wait3A_40 = arith.constant 0 : i32
        %dma_wait3A_41 = tpu.memref_slice %arg14[%mul3A_0, %dma_wait3A_40] : memref<5120x128xf32, #tpu.memory_space<vmem_shared>> -> memref<320x128xf32, #tpu.memory_space<vmem_shared>>
        tpu.wait_dma2 semaphore(%run_scoped3A : memref<!tpu.dma_semaphore, #tpu.memory_space<semaphore_mem>>) src(%dma_wait3A_41 : memref<320x128xf32, #tpu.memory_space<vmem_shared>>) dst(%dma_wait3A_39 : memref<320x128xf32, #tpu.memory_space<hbm>>)
        tpu.yield
      }) : () -> ()
      "tpu.region"() ({
        %run_scoped3A = tpu.sem_alloc : memref<!tpu.dma_semaphore, #tpu.memory_space<semaphore_mem>>
        %dma_start3A_35 = arith.constant 0 : i32
        %dma_start3A_36 = tpu.memref_slice %arg14[%mul3A_0, %dma_start3A_35] : memref<5120x128xf32, #tpu.memory_space<vmem_shared>> -> memref<320x128xf32, #tpu.memory_space<vmem_shared>>
        %dma_start3A_37 = arith.constant 0 : i32
        %dma_start3A_38 = tpu.memref_slice %arg8[%mul3A_0, %dma_start3A_37] : memref<5120x128xf32, #tpu.memory_space<hbm>> -> memref<320x128xf32, #tpu.memory_space<hbm>>
        tpu.enqueue_dma source(%dma_start3A_38 : memref<320x128xf32, #tpu.memory_space<hbm>>) target(%dma_start3A_36 : memref<320x128xf32, #tpu.memory_space<vmem_shared>>) target_semaphore(%run_scoped3A : memref<!tpu.dma_semaphore, #tpu.memory_space<semaphore_mem>>)
        %dma_wait3A = arith.constant 0 : i32
        %dma_wait3A_39 = tpu.memref_slice %arg14[%mul3A_0, %dma_wait3A] : memref<5120x128xf32, #tpu.memory_space<vmem_shared>> -> memref<320x128xf32, #tpu.memory_space<vmem_shared>>
        %dma_wait3A_40 = arith.constant 0 : i32
        %dma_wait3A_41 = tpu.memref_slice %arg8[%mul3A_0, %dma_wait3A_40] : memref<5120x128xf32, #tpu.memory_space<hbm>> -> memref<320x128xf32, #tpu.memory_space<hbm>>
        tpu.wait_dma2 semaphore(%run_scoped3A : memref<!tpu.dma_semaphore, #tpu.memory_space<semaphore_mem>>) src(%dma_wait3A_41 : memref<320x128xf32, #tpu.memory_space<hbm>>) dst(%dma_wait3A_39 : memref<320x128xf32, #tpu.memory_space<vmem_shared>>)
        tpu.yield
      }) : () -> ()
      %barrier3A_27 = arith.constant 0 : index
      tpu.barrier barrier_id(%barrier3A_27)
      %scan3A_28 = arith.constant 0 : i32
      %scan3A_29 = arith.constant 0 : i32
      %scan3A_30 = arith.constant 158 : i32
      %scan3A_31 = arith.addi %scan3A_29, %scan3A_30 : i32
      %scan3A_32 = arith.constant 1 : i32
      scf.for %scan3A_35 = %scan3A_29 to %scan3A_31 step %scan3A_32  : i32 {
        "tpu.region"() ({
          %run_scoped3A = tpu.sem_alloc : memref<!tpu.dma_semaphore, #tpu.memory_space<semaphore_mem>>
          %dma_start3A_36 = arith.constant 0 : i32
          %dma_start3A_37 = tpu.memref_slice %arg16[%scan3A_35, %dma_start3A_36] : memref<158x128xi32, #tpu.memory_space<vmem>> -> memref<1x128xi32, #tpu.memory_space<vmem>>
          %dma_start3A_38 = tpu.memref_squeeze %dma_start3A_37 : memref<1x128xi32, #tpu.memory_space<vmem>> -> memref<128xi32, #tpu.memory_space<vmem>>
          %dma_start3A_39 = arith.constant 0 : i32
          %dma_start3A_40 = arith.constant 0 : i32
          %dma_start3A_41 = tpu.memref_slice %arg14[%dma_start3A_39, %dma_start3A_40] : memref<5120x128xf32, #tpu.memory_space<vmem_shared>> -> memref<5120x128xf32, #tpu.memory_space<vmem_shared>>
          tpu.enqueue_indirect_dma source(%arg21 : memref<128x128xf32, #tpu.memory_space<vmem>>) target(%dma_start3A_41 : memref<5120x128xf32, #tpu.memory_space<vmem_shared>>) offsets(%dma_start3A_38 : memref<128xi32, #tpu.memory_space<vmem>>) semaphore(%run_scoped3A : memref<!tpu.dma_semaphore, #tpu.memory_space<semaphore_mem>>) {add = true}
          %dma_wait3A = arith.constant 0 : i32
          %dma_wait3A_42 = tpu.memref_slice %arg16[%scan3A_35, %dma_wait3A] : memref<158x128xi32, #tpu.memory_space<vmem>> -> memref<1x128xi32, #tpu.memory_space<vmem>>
          %dma_wait3A_43 = tpu.memref_squeeze %dma_wait3A_42 : memref<1x128xi32, #tpu.memory_space<vmem>> -> memref<128xi32, #tpu.memory_space<vmem>>
          %dma_wait3A_44 = arith.constant 0 : i32
          %dma_wait3A_45 = arith.constant 0 : i32
          %dma_wait3A_46 = tpu.memref_slice %arg14[%dma_wait3A_44, %dma_wait3A_45] : memref<5120x128xf32, #tpu.memory_space<vmem_shared>> -> memref<5120x128xf32, #tpu.memory_space<vmem_shared>>
          tpu.wait_indirect_dma semaphore(%run_scoped3A : memref<!tpu.dma_semaphore, #tpu.memory_space<semaphore_mem>>) src(%arg21 : memref<128x128xf32, #tpu.memory_space<vmem>>) dst(%dma_wait3A_46 : memref<5120x128xf32, #tpu.memory_space<vmem_shared>>)
          tpu.yield
        }) : () -> ()
      }
      %scan3A_33 = arith.constant 158 : i32
      %barrier3A_34 = arith.constant 0 : index
      tpu.barrier barrier_id(%barrier3A_34)
      "tpu.region"() ({
        %run_scoped3A = tpu.sem_alloc : memref<!tpu.dma_semaphore, #tpu.memory_space<semaphore_mem>>
        %dma_start3A_35 = arith.constant 0 : i32
        %dma_start3A_36 = tpu.memref_slice %arg12[%mul3A_0, %dma_start3A_35] : memref<5120x128xf32, #tpu.memory_space<hbm>> -> memref<320x128xf32, #tpu.memory_space<hbm>>
        %dma_start3A_37 = arith.constant 0 : i32
        %dma_start3A_38 = tpu.memref_slice %arg14[%mul3A_0, %dma_start3A_37] : memref<5120x128xf32, #tpu.memory_space<vmem_shared>> -> memref<320x128xf32, #tpu.memory_space<vmem_shared>>
        tpu.enqueue_dma source(%dma_start3A_38 : memref<320x128xf32, #tpu.memory_space<vmem_shared>>) target(%dma_start3A_36 : memref<320x128xf32, #tpu.memory_space<hbm>>) target_semaphore(%run_scoped3A : memref<!tpu.dma_semaphore, #tpu.memory_space<semaphore_mem>>)
        %dma_wait3A = arith.constant 0 : i32
        %dma_wait3A_39 = tpu.memref_slice %arg12[%mul3A_0, %dma_wait3A] : memref<5120x128xf32, #tpu.memory_space<hbm>> -> memref<320x128xf32, #tpu.memory_space<hbm>>
        %dma_wait3A_40 = arith.constant 0 : i32
        %dma_wait3A_41 = tpu.memref_slice %arg14[%mul3A_0, %dma_wait3A_40] : memref<5120x128xf32, #tpu.memory_space<vmem_shared>> -> memref<320x128xf32, #tpu.memory_space<vmem_shared>>
        tpu.wait_dma2 semaphore(%run_scoped3A : memref<!tpu.dma_semaphore, #tpu.memory_space<semaphore_mem>>) src(%dma_wait3A_41 : memref<320x128xf32, #tpu.memory_space<vmem_shared>>) dst(%dma_wait3A_39 : memref<320x128xf32, #tpu.memory_space<hbm>>)
        tpu.yield
      }) : () -> ()
    } else {
    }
    %eq3A_3 = arith.constant 1 : i32
    %eq3A_4 = arith.cmpi eq, %arg0, %eq3A_3 : i32
    %convert_element_type3A_5 = arith.extui %eq3A_4 : i1 to i32
    %cond3A_6 = arith.constant 0 : i32
    %cond3A_7 = arith.cmpi ne, %convert_element_type3A_5, %cond3A_6 : i32
    scf.if %cond3A_7 {
      "tpu.region"() ({
        %run_scoped3A = tpu.sem_alloc : memref<!tpu.dma_semaphore, #tpu.memory_space<semaphore_mem>>
        %dma_start3A_35 = arith.constant 0 : i32
        %dma_start3A_36 = arith.constant 0 : i32
        %dma_start3A_37 = tpu.memref_slice %arg6[%arg1, %dma_start3A_35, %dma_start3A_36] : memref<16x158x128xi32, #tpu.memory_space<hbm>> -> memref<1x158x128xi32, #tpu.memory_space<hbm>>
        %dma_start3A_38 = tpu.memref_squeeze %dma_start3A_37 : memref<1x158x128xi32, #tpu.memory_space<hbm>> -> memref<158x128xi32, #tpu.memory_space<hbm>>
        %dma_start3A_39 = arith.constant 0 : i32
        %dma_start3A_40 = arith.constant 0 : i32
        %dma_start3A_41 = tpu.memref_slice %arg6[%arg1, %dma_start3A_39, %dma_start3A_40] : memref<16x158x128xi32, #tpu.memory_space<hbm>> -> memref<1x158x128xi32, #tpu.memory_space<hbm>>
        %dma_start3A_42 = tpu.memref_squeeze %dma_start3A_41 : memref<1x158x128xi32, #tpu.memory_space<hbm>> -> memref<158x128xi32, #tpu.memory_space<hbm>>
        tpu.enqueue_dma source(%dma_start3A_42 : memref<158x128xi32, #tpu.memory_space<hbm>>) target(%arg15 : memref<158x128xi32, #tpu.memory_space<vmem>>) target_semaphore(%run_scoped3A : memref<!tpu.dma_semaphore, #tpu.memory_space<semaphore_mem>>)
        %dma_wait3A = arith.constant 0 : i32
        %dma_wait3A_43 = arith.constant 0 : i32
        %dma_wait3A_44 = tpu.memref_slice %arg6[%arg1, %dma_wait3A, %dma_wait3A_43] : memref<16x158x128xi32, #tpu.memory_space<hbm>> -> memref<1x158x128xi32, #tpu.memory_space<hbm>>
        %dma_wait3A_45 = tpu.memref_squeeze %dma_wait3A_44 : memref<1x158x128xi32, #tpu.memory_space<hbm>> -> memref<158x128xi32, #tpu.memory_space<hbm>>
        %dma_wait3A_46 = arith.constant 0 : i32
        %dma_wait3A_47 = arith.constant 0 : i32
        %dma_wait3A_48 = tpu.memref_slice %arg6[%arg1, %dma_wait3A_46, %dma_wait3A_47] : memref<16x158x128xi32, #tpu.memory_space<hbm>> -> memref<1x158x128xi32, #tpu.memory_space<hbm>>
        %dma_wait3A_49 = tpu.memref_squeeze %dma_wait3A_48 : memref<1x158x128xi32, #tpu.memory_space<hbm>> -> memref<158x128xi32, #tpu.memory_space<hbm>>
        tpu.wait_dma2 semaphore(%run_scoped3A : memref<!tpu.dma_semaphore, #tpu.memory_space<semaphore_mem>>) src(%dma_wait3A_49 : memref<158x128xi32, #tpu.memory_space<hbm>>) dst(%arg15 : memref<158x128xi32, #tpu.memory_space<vmem>>)
        tpu.yield
      }) : () -> ()
      "tpu.region"() ({
        %run_scoped3A = tpu.sem_alloc : memref<!tpu.dma_semaphore, #tpu.memory_space<semaphore_mem>>
        %dma_start3A_35 = arith.constant 0 : i32
        %dma_start3A_36 = arith.constant 0 : i32
        %dma_start3A_37 = tpu.memref_slice %arg7[%arg1, %dma_start3A_35, %dma_start3A_36] : memref<16x158x128xi32, #tpu.memory_space<hbm>> -> memref<1x158x128xi32, #tpu.memory_space<hbm>>
        %dma_start3A_38 = tpu.memref_squeeze %dma_start3A_37 : memref<1x158x128xi32, #tpu.memory_space<hbm>> -> memref<158x128xi32, #tpu.memory_space<hbm>>
        %dma_start3A_39 = arith.constant 0 : i32
        %dma_start3A_40 = arith.constant 0 : i32
        %dma_start3A_41 = tpu.memref_slice %arg7[%arg1, %dma_start3A_39, %dma_start3A_40] : memref<16x158x128xi32, #tpu.memory_space<hbm>> -> memref<1x158x128xi32, #tpu.memory_space<hbm>>
        %dma_start3A_42 = tpu.memref_squeeze %dma_start3A_41 : memref<1x158x128xi32, #tpu.memory_space<hbm>> -> memref<158x128xi32, #tpu.memory_space<hbm>>
        tpu.enqueue_dma source(%dma_start3A_42 : memref<158x128xi32, #tpu.memory_space<hbm>>) target(%arg16 : memref<158x128xi32, #tpu.memory_space<vmem>>) target_semaphore(%run_scoped3A : memref<!tpu.dma_semaphore, #tpu.memory_space<semaphore_mem>>)
        %dma_wait3A = arith.constant 0 : i32
        %dma_wait3A_43 = arith.constant 0 : i32
        %dma_wait3A_44 = tpu.memref_slice %arg7[%arg1, %dma_wait3A, %dma_wait3A_43] : memref<16x158x128xi32, #tpu.memory_space<hbm>> -> memref<1x158x128xi32, #tpu.memory_space<hbm>>
        %dma_wait3A_45 = tpu.memref_squeeze %dma_wait3A_44 : memref<1x158x128xi32, #tpu.memory_space<hbm>> -> memref<158x128xi32, #tpu.memory_space<hbm>>
        %dma_wait3A_46 = arith.constant 0 : i32
        %dma_wait3A_47 = arith.constant 0 : i32
        %dma_wait3A_48 = tpu.memref_slice %arg7[%arg1, %dma_wait3A_46, %dma_wait3A_47] : memref<16x158x128xi32, #tpu.memory_space<hbm>> -> memref<1x158x128xi32, #tpu.memory_space<hbm>>
        %dma_wait3A_49 = tpu.memref_squeeze %dma_wait3A_48 : memref<1x158x128xi32, #tpu.memory_space<hbm>> -> memref<158x128xi32, #tpu.memory_space<hbm>>
        tpu.wait_dma2 semaphore(%run_scoped3A : memref<!tpu.dma_semaphore, #tpu.memory_space<semaphore_mem>>) src(%dma_wait3A_49 : memref<158x128xi32, #tpu.memory_space<hbm>>) dst(%arg16 : memref<158x128xi32, #tpu.memory_space<vmem>>)
        tpu.yield
      }) : () -> ()
      "tpu.region"() ({
        %run_scoped3A = tpu.sem_alloc : memref<!tpu.dma_semaphore, #tpu.memory_space<semaphore_mem>>
        %dma_start3A_35 = arith.constant 0 : i32
        %dma_start3A_36 = tpu.memref_slice %arg14[%mul3A_0, %dma_start3A_35] : memref<5120x128xf32, #tpu.memory_space<vmem_shared>> -> memref<320x128xf32, #tpu.memory_space<vmem_shared>>
        %dma_start3A_37 = arith.constant 0 : i32
        %dma_start3A_38 = tpu.memref_slice %arg8[%mul3A_0, %dma_start3A_37] : memref<5120x128xf32, #tpu.memory_space<hbm>> -> memref<320x128xf32, #tpu.memory_space<hbm>>
        tpu.enqueue_dma source(%dma_start3A_38 : memref<320x128xf32, #tpu.memory_space<hbm>>) target(%dma_start3A_36 : memref<320x128xf32, #tpu.memory_space<vmem_shared>>) target_semaphore(%run_scoped3A : memref<!tpu.dma_semaphore, #tpu.memory_space<semaphore_mem>>)
        %dma_wait3A = arith.constant 0 : i32
        %dma_wait3A_39 = tpu.memref_slice %arg14[%mul3A_0, %dma_wait3A] : memref<5120x128xf32, #tpu.memory_space<vmem_shared>> -> memref<320x128xf32, #tpu.memory_space<vmem_shared>>
        %dma_wait3A_40 = arith.constant 0 : i32
        %dma_wait3A_41 = tpu.memref_slice %arg8[%mul3A_0, %dma_wait3A_40] : memref<5120x128xf32, #tpu.memory_space<hbm>> -> memref<320x128xf32, #tpu.memory_space<hbm>>
        tpu.wait_dma2 semaphore(%run_scoped3A : memref<!tpu.dma_semaphore, #tpu.memory_space<semaphore_mem>>) src(%dma_wait3A_41 : memref<320x128xf32, #tpu.memory_space<hbm>>) dst(%dma_wait3A_39 : memref<320x128xf32, #tpu.memory_space<vmem_shared>>)
        tpu.yield
      }) : () -> ()
      "tpu.region"() ({
        %run_scoped3A = tpu.sem_alloc : memref<!tpu.dma_semaphore, #tpu.memory_space<semaphore_mem>>
        tpu.enqueue_dma source(%arg9 : memref<128x128xf32, #tpu.memory_space<hbm>>) target(%arg21 : memref<128x128xf32, #tpu.memory_space<vmem>>) target_semaphore(%run_scoped3A : memref<!tpu.dma_semaphore, #tpu.memory_space<semaphore_mem>>)
        tpu.wait_dma2 semaphore(%run_scoped3A : memref<!tpu.dma_semaphore, #tpu.memory_space<semaphore_mem>>) src(%arg9 : memref<128x128xf32, #tpu.memory_space<hbm>>) dst(%arg21 : memref<128x128xf32, #tpu.memory_space<vmem>>)
        tpu.yield
      }) : () -> ()
      %barrier3A = arith.constant 0 : index
      tpu.barrier barrier_id(%barrier3A)
      %dma_start3A = arith.constant 0 : i32
      %dma_start3A_8 = arith.constant 0 : i32
      %dma_start3A_9 = tpu.memref_slice %arg15[%dma_start3A, %dma_start3A_8] : memref<158x128xi32, #tpu.memory_space<vmem>> -> memref<1x128xi32, #tpu.memory_space<vmem>>
      %dma_start3A_10 = tpu.memref_squeeze %dma_start3A_9 : memref<1x128xi32, #tpu.memory_space<vmem>> -> memref<128xi32, #tpu.memory_space<vmem>>
      %dma_start3A_11 = arith.constant 0 : i32
      %dma_start3A_12 = arith.constant 0 : i32
      %dma_start3A_13 = tpu.memref_slice %arg3[%dma_start3A_11, %dma_start3A_12] : memref<5120x128xf32, #tpu.memory_space<hbm>> -> memref<5120x128xf32, #tpu.memory_space<hbm>>
      tpu.enqueue_indirect_dma source(%dma_start3A_13 : memref<5120x128xf32, #tpu.memory_space<hbm>>) target(%arg17 : memref<128x128xf32, #tpu.memory_space<vmem>>) offsets(%dma_start3A_10 : memref<128xi32, #tpu.memory_space<vmem>>) semaphore(%arg19 : memref<!tpu.dma_semaphore, #tpu.memory_space<semaphore_mem>>)
      %dma_start3A_14 = arith.constant 1 : i32
      %dma_start3A_15 = arith.constant 0 : i32
      %dma_start3A_16 = tpu.memref_slice %arg15[%dma_start3A_14, %dma_start3A_15] : memref<158x128xi32, #tpu.memory_space<vmem>> -> memref<1x128xi32, #tpu.memory_space<vmem>>
      %dma_start3A_17 = tpu.memref_squeeze %dma_start3A_16 : memref<1x128xi32, #tpu.memory_space<vmem>> -> memref<128xi32, #tpu.memory_space<vmem>>
      %dma_start3A_18 = arith.constant 0 : i32
      %dma_start3A_19 = arith.constant 0 : i32
      %dma_start3A_20 = tpu.memref_slice %arg3[%dma_start3A_18, %dma_start3A_19] : memref<5120x128xf32, #tpu.memory_space<hbm>> -> memref<5120x128xf32, #tpu.memory_space<hbm>>
      tpu.enqueue_indirect_dma source(%dma_start3A_20 : memref<5120x128xf32, #tpu.memory_space<hbm>>) target(%arg18 : memref<128x128xf32, #tpu.memory_space<vmem>>) offsets(%dma_start3A_17 : memref<128xi32, #tpu.memory_space<vmem>>) semaphore(%arg20 : memref<!tpu.dma_semaphore, #tpu.memory_space<semaphore_mem>>)
      %scan3A = arith.constant 0 : i32
      %scan3A_21 = arith.constant 0 : i32
      %scan3A_22 = arith.constant 79 : i32
      %scan3A_23 = arith.addi %scan3A_21, %scan3A_22 : i32
      %scan3A_24 = arith.constant 1 : i32
      scf.for %scan3A_35 = %scan3A_21 to %scan3A_23 step %scan3A_24  : i32 {
        %mul3A_36 = arith.constant 2 : i32
        %mul3A_37 = arith.muli %mul3A_36, %scan3A_35 : i32
        %mul3A_38 = arith.constant 2 : i32
        %mul3A_39 = arith.muli %mul3A_38, %scan3A_35 : i32
        %add3A = arith.constant 1 : i32
        %add3A_40 = arith.addi %mul3A_39, %add3A : i32
        %dma_wait3A = arith.constant 0 : i32
        %dma_wait3A_41 = tpu.memref_slice %arg15[%mul3A_37, %dma_wait3A] : memref<158x128xi32, #tpu.memory_space<vmem>> -> memref<1x128xi32, #tpu.memory_space<vmem>>
        %dma_wait3A_42 = tpu.memref_squeeze %dma_wait3A_41 : memref<1x128xi32, #tpu.memory_space<vmem>> -> memref<128xi32, #tpu.memory_space<vmem>>
        %dma_wait3A_43 = arith.constant 0 : i32
        %dma_wait3A_44 = arith.constant 0 : i32
        %dma_wait3A_45 = tpu.memref_slice %arg3[%dma_wait3A_43, %dma_wait3A_44] : memref<5120x128xf32, #tpu.memory_space<hbm>> -> memref<5120x128xf32, #tpu.memory_space<hbm>>
        tpu.wait_indirect_dma semaphore(%arg19 : memref<!tpu.dma_semaphore, #tpu.memory_space<semaphore_mem>>) src(%dma_wait3A_45 : memref<5120x128xf32, #tpu.memory_space<hbm>>) dst(%arg17 : memref<128x128xf32, #tpu.memory_space<vmem>>)
        "tpu.region"() ({
          %run_scoped3A = tpu.sem_alloc : memref<!tpu.dma_semaphore, #tpu.memory_space<semaphore_mem>>
          %dma_start3A_65 = arith.constant 0 : i32
          %dma_start3A_66 = tpu.memref_slice %arg16[%mul3A_37, %dma_start3A_65] : memref<158x128xi32, #tpu.memory_space<vmem>> -> memref<1x128xi32, #tpu.memory_space<vmem>>
          %dma_start3A_67 = tpu.memref_squeeze %dma_start3A_66 : memref<1x128xi32, #tpu.memory_space<vmem>> -> memref<128xi32, #tpu.memory_space<vmem>>
          %dma_start3A_68 = arith.constant 0 : i32
          %dma_start3A_69 = arith.constant 0 : i32
          %dma_start3A_70 = tpu.memref_slice %arg14[%dma_start3A_68, %dma_start3A_69] : memref<5120x128xf32, #tpu.memory_space<vmem_shared>> -> memref<5120x128xf32, #tpu.memory_space<vmem_shared>>
          tpu.enqueue_indirect_dma source(%arg17 : memref<128x128xf32, #tpu.memory_space<vmem>>) target(%dma_start3A_70 : memref<5120x128xf32, #tpu.memory_space<vmem_shared>>) offsets(%dma_start3A_67 : memref<128xi32, #tpu.memory_space<vmem>>) semaphore(%run_scoped3A : memref<!tpu.dma_semaphore, #tpu.memory_space<semaphore_mem>>) {add = true}
          %dma_wait3A_71 = arith.constant 0 : i32
          %dma_wait3A_72 = tpu.memref_slice %arg16[%mul3A_37, %dma_wait3A_71] : memref<158x128xi32, #tpu.memory_space<vmem>> -> memref<1x128xi32, #tpu.memory_space<vmem>>
          %dma_wait3A_73 = tpu.memref_squeeze %dma_wait3A_72 : memref<1x128xi32, #tpu.memory_space<vmem>> -> memref<128xi32, #tpu.memory_space<vmem>>
          %dma_wait3A_74 = arith.constant 0 : i32
          %dma_wait3A_75 = arith.constant 0 : i32
          %dma_wait3A_76 = tpu.memref_slice %arg14[%dma_wait3A_74, %dma_wait3A_75] : memref<5120x128xf32, #tpu.memory_space<vmem_shared>> -> memref<5120x128xf32, #tpu.memory_space<vmem_shared>>
          tpu.wait_indirect_dma semaphore(%run_scoped3A : memref<!tpu.dma_semaphore, #tpu.memory_space<semaphore_mem>>) src(%arg17 : memref<128x128xf32, #tpu.memory_space<vmem>>) dst(%dma_wait3A_76 : memref<5120x128xf32, #tpu.memory_space<vmem_shared>>)
          tpu.yield
        }) : () -> ()
        %add3A_46 = arith.constant 2 : i32
        %add3A_47 = arith.addi %mul3A_37, %add3A_46 : i32
        %lt3A = arith.constant 158 : i32
        %lt3A_48 = arith.cmpi slt, %add3A_47, %lt3A : i32
        %convert_element_type3A_49 = arith.extui %lt3A_48 : i1 to i32
        %cond3A_50 = arith.constant 0 : i32
        %cond3A_51 = arith.cmpi ne, %convert_element_type3A_49, %cond3A_50 : i32
        scf.if %cond3A_51 {
          %add3A_65 = arith.constant 2 : i32
          %add3A_66 = arith.addi %mul3A_37, %add3A_65 : i32
          %dma_start3A_67 = arith.constant 0 : i32
          %dma_start3A_68 = tpu.memref_slice %arg15[%add3A_66, %dma_start3A_67] : memref<158x128xi32, #tpu.memory_space<vmem>> -> memref<1x128xi32, #tpu.memory_space<vmem>>
          %dma_start3A_69 = tpu.memref_squeeze %dma_start3A_68 : memref<1x128xi32, #tpu.memory_space<vmem>> -> memref<128xi32, #tpu.memory_space<vmem>>
          %dma_start3A_70 = arith.constant 0 : i32
          %dma_start3A_71 = arith.constant 0 : i32
          %dma_start3A_72 = tpu.memref_slice %arg3[%dma_start3A_70, %dma_start3A_71] : memref<5120x128xf32, #tpu.memory_space<hbm>> -> memref<5120x128xf32, #tpu.memory_space<hbm>>
          tpu.enqueue_indirect_dma source(%dma_start3A_72 : memref<5120x128xf32, #tpu.memory_space<hbm>>) target(%arg17 : memref<128x128xf32, #tpu.memory_space<vmem>>) offsets(%dma_start3A_69 : memref<128xi32, #tpu.memory_space<vmem>>) semaphore(%arg19 : memref<!tpu.dma_semaphore, #tpu.memory_space<semaphore_mem>>)
        } else {
        }
        %dma_wait3A_52 = arith.constant 0 : i32
        %dma_wait3A_53 = tpu.memref_slice %arg15[%add3A_40, %dma_wait3A_52] : memref<158x128xi32, #tpu.memory_space<vmem>> -> memref<1x128xi32, #tpu.memory_space<vmem>>
        %dma_wait3A_54 = tpu.memref_squeeze %dma_wait3A_53 : memref<1x128xi32, #tpu.memory_space<vmem>> -> memref<128xi32, #tpu.memory_space<vmem>>
        %dma_wait3A_55 = arith.constant 0 : i32
        %dma_wait3A_56 = arith.constant 0 : i32
        %dma_wait3A_57 = tpu.memref_slice %arg3[%dma_wait3A_55, %dma_wait3A_56] : memref<5120x128xf32, #tpu.memory_space<hbm>> -> memref<5120x128xf32, #tpu.memory_space<hbm>>
        tpu.wait_indirect_dma semaphore(%arg20 : memref<!tpu.dma_semaphore, #tpu.memory_space<semaphore_mem>>) src(%dma_wait3A_57 : memref<5120x128xf32, #tpu.memory_space<hbm>>) dst(%arg18 : memref<128x128xf32, #tpu.memory_space<vmem>>)
        "tpu.region"() ({
          %run_scoped3A = tpu.sem_alloc : memref<!tpu.dma_semaphore, #tpu.memory_space<semaphore_mem>>
          %dma_start3A_65 = arith.constant 0 : i32
          %dma_start3A_66 = tpu.memref_slice %arg16[%add3A_40, %dma_start3A_65] : memref<158x128xi32, #tpu.memory_space<vmem>> -> memref<1x128xi32, #tpu.memory_space<vmem>>
          %dma_start3A_67 = tpu.memref_squeeze %dma_start3A_66 : memref<1x128xi32, #tpu.memory_space<vmem>> -> memref<128xi32, #tpu.memory_space<vmem>>
          %dma_start3A_68 = arith.constant 0 : i32
          %dma_start3A_69 = arith.constant 0 : i32
          %dma_start3A_70 = tpu.memref_slice %arg14[%dma_start3A_68, %dma_start3A_69] : memref<5120x128xf32, #tpu.memory_space<vmem_shared>> -> memref<5120x128xf32, #tpu.memory_space<vmem_shared>>
          tpu.enqueue_indirect_dma source(%arg18 : memref<128x128xf32, #tpu.memory_space<vmem>>) target(%dma_start3A_70 : memref<5120x128xf32, #tpu.memory_space<vmem_shared>>) offsets(%dma_start3A_67 : memref<128xi32, #tpu.memory_space<vmem>>) semaphore(%run_scoped3A : memref<!tpu.dma_semaphore, #tpu.memory_space<semaphore_mem>>) {add = true}
          %dma_wait3A_71 = arith.constant 0 : i32
          %dma_wait3A_72 = tpu.memref_slice %arg16[%add3A_40, %dma_wait3A_71] : memref<158x128xi32, #tpu.memory_space<vmem>> -> memref<1x128xi32, #tpu.memory_space<vmem>>
          %dma_wait3A_73 = tpu.memref_squeeze %dma_wait3A_72 : memref<1x128xi32, #tpu.memory_space<vmem>> -> memref<128xi32, #tpu.memory_space<vmem>>
          %dma_wait3A_74 = arith.constant 0 : i32
          %dma_wait3A_75 = arith.constant 0 : i32
          %dma_wait3A_76 = tpu.memref_slice %arg14[%dma_wait3A_74, %dma_wait3A_75] : memref<5120x128xf32, #tpu.memory_space<vmem_shared>> -> memref<5120x128xf32, #tpu.memory_space<vmem_shared>>
          tpu.wait_indirect_dma semaphore(%run_scoped3A : memref<!tpu.dma_semaphore, #tpu.memory_space<semaphore_mem>>) src(%arg18 : memref<128x128xf32, #tpu.memory_space<vmem>>) dst(%dma_wait3A_76 : memref<5120x128xf32, #tpu.memory_space<vmem_shared>>)
          tpu.yield
        }) : () -> ()
        %add3A_58 = arith.constant 2 : i32
        %add3A_59 = arith.addi %add3A_40, %add3A_58 : i32
        %lt3A_60 = arith.constant 158 : i32
        %lt3A_61 = arith.cmpi slt, %add3A_59, %lt3A_60 : i32
        %convert_element_type3A_62 = arith.extui %lt3A_61 : i1 to i32
        %cond3A_63 = arith.constant 0 : i32
        %cond3A_64 = arith.cmpi ne, %convert_element_type3A_62, %cond3A_63 : i32
        scf.if %cond3A_64 {
          %add3A_65 = arith.constant 2 : i32
          %add3A_66 = arith.addi %add3A_40, %add3A_65 : i32
          %dma_start3A_67 = arith.constant 0 : i32
          %dma_start3A_68 = tpu.memref_slice %arg15[%add3A_66, %dma_start3A_67] : memref<158x128xi32, #tpu.memory_space<vmem>> -> memref<1x128xi32, #tpu.memory_space<vmem>>
          %dma_start3A_69 = tpu.memref_squeeze %dma_start3A_68 : memref<1x128xi32, #tpu.memory_space<vmem>> -> memref<128xi32, #tpu.memory_space<vmem>>
          %dma_start3A_70 = arith.constant 0 : i32
          %dma_start3A_71 = arith.constant 0 : i32
          %dma_start3A_72 = tpu.memref_slice %arg3[%dma_start3A_70, %dma_start3A_71] : memref<5120x128xf32, #tpu.memory_space<hbm>> -> memref<5120x128xf32, #tpu.memory_space<hbm>>
          tpu.enqueue_indirect_dma source(%dma_start3A_72 : memref<5120x128xf32, #tpu.memory_space<hbm>>) target(%arg18 : memref<128x128xf32, #tpu.memory_space<vmem>>) offsets(%dma_start3A_69 : memref<128xi32, #tpu.memory_space<vmem>>) semaphore(%arg20 : memref<!tpu.dma_semaphore, #tpu.memory_space<semaphore_mem>>)
        } else {
        }
      }
      %scan3A_25 = arith.constant 79 : i32
      %barrier3A_26 = arith.constant 0 : index
      tpu.barrier barrier_id(%barrier3A_26)
      "tpu.region"() ({
        %run_scoped3A = tpu.sem_alloc : memref<!tpu.dma_semaphore, #tpu.memory_space<semaphore_mem>>
        %dma_start3A_35 = arith.constant 0 : i32
        %dma_start3A_36 = tpu.memref_slice %arg11[%mul3A_0, %dma_start3A_35] : memref<5120x128xf32, #tpu.memory_space<hbm>> -> memref<320x128xf32, #tpu.memory_space<hbm>>
        %dma_start3A_37 = arith.constant 0 : i32
        %dma_start3A_38 = tpu.memref_slice %arg14[%mul3A_0, %dma_start3A_37] : memref<5120x128xf32, #tpu.memory_space<vmem_shared>> -> memref<320x128xf32, #tpu.memory_space<vmem_shared>>
        tpu.enqueue_dma source(%dma_start3A_38 : memref<320x128xf32, #tpu.memory_space<vmem_shared>>) target(%dma_start3A_36 : memref<320x128xf32, #tpu.memory_space<hbm>>) target_semaphore(%run_scoped3A : memref<!tpu.dma_semaphore, #tpu.memory_space<semaphore_mem>>)
        %dma_wait3A = arith.constant 0 : i32
        %dma_wait3A_39 = tpu.memref_slice %arg11[%mul3A_0, %dma_wait3A] : memref<5120x128xf32, #tpu.memory_space<hbm>> -> memref<320x128xf32, #tpu.memory_space<hbm>>
        %dma_wait3A_40 = arith.constant 0 : i32
        %dma_wait3A_41 = tpu.memref_slice %arg14[%mul3A_0, %dma_wait3A_40] : memref<5120x128xf32, #tpu.memory_space<vmem_shared>> -> memref<320x128xf32, #tpu.memory_space<vmem_shared>>
        tpu.wait_dma2 semaphore(%run_scoped3A : memref<!tpu.dma_semaphore, #tpu.memory_space<semaphore_mem>>) src(%dma_wait3A_41 : memref<320x128xf32, #tpu.memory_space<vmem_shared>>) dst(%dma_wait3A_39 : memref<320x128xf32, #tpu.memory_space<hbm>>)
        tpu.yield
      }) : () -> ()
      "tpu.region"() ({
        %run_scoped3A = tpu.sem_alloc : memref<!tpu.dma_semaphore, #tpu.memory_space<semaphore_mem>>
        %dma_start3A_35 = arith.constant 0 : i32
        %dma_start3A_36 = tpu.memref_slice %arg14[%mul3A_0, %dma_start3A_35] : memref<5120x128xf32, #tpu.memory_space<vmem_shared>> -> memref<320x128xf32, #tpu.memory_space<vmem_shared>>
        %dma_start3A_37 = arith.constant 0 : i32
        %dma_start3A_38 = tpu.memref_slice %arg8[%mul3A_0, %dma_start3A_37] : memref<5120x128xf32, #tpu.memory_space<hbm>> -> memref<320x128xf32, #tpu.memory_space<hbm>>
        tpu.enqueue_dma source(%dma_start3A_38 : memref<320x128xf32, #tpu.memory_space<hbm>>) target(%dma_start3A_36 : memref<320x128xf32, #tpu.memory_space<vmem_shared>>) target_semaphore(%run_scoped3A : memref<!tpu.dma_semaphore, #tpu.memory_space<semaphore_mem>>)
        %dma_wait3A = arith.constant 0 : i32
        %dma_wait3A_39 = tpu.memref_slice %arg14[%mul3A_0, %dma_wait3A] : memref<5120x128xf32, #tpu.memory_space<vmem_shared>> -> memref<320x128xf32, #tpu.memory_space<vmem_shared>>
        %dma_wait3A_40 = arith.constant 0 : i32
        %dma_wait3A_41 = tpu.memref_slice %arg8[%mul3A_0, %dma_wait3A_40] : memref<5120x128xf32, #tpu.memory_space<hbm>> -> memref<320x128xf32, #tpu.memory_space<hbm>>
        tpu.wait_dma2 semaphore(%run_scoped3A : memref<!tpu.dma_semaphore, #tpu.memory_space<semaphore_mem>>) src(%dma_wait3A_41 : memref<320x128xf32, #tpu.memory_space<hbm>>) dst(%dma_wait3A_39 : memref<320x128xf32, #tpu.memory_space<vmem_shared>>)
        tpu.yield
      }) : () -> ()
      %barrier3A_27 = arith.constant 0 : index
      tpu.barrier barrier_id(%barrier3A_27)
      %scan3A_28 = arith.constant 0 : i32
      %scan3A_29 = arith.constant 0 : i32
      %scan3A_30 = arith.constant 158 : i32
      %scan3A_31 = arith.addi %scan3A_29, %scan3A_30 : i32
      %scan3A_32 = arith.constant 1 : i32
      scf.for %scan3A_35 = %scan3A_29 to %scan3A_31 step %scan3A_32  : i32 {
        "tpu.region"() ({
          %run_scoped3A = tpu.sem_alloc : memref<!tpu.dma_semaphore, #tpu.memory_space<semaphore_mem>>
          %dma_start3A_36 = arith.constant 0 : i32
          %dma_start3A_37 = tpu.memref_slice %arg16[%scan3A_35, %dma_start3A_36] : memref<158x128xi32, #tpu.memory_space<vmem>> -> memref<1x128xi32, #tpu.memory_space<vmem>>
          %dma_start3A_38 = tpu.memref_squeeze %dma_start3A_37 : memref<1x128xi32, #tpu.memory_space<vmem>> -> memref<128xi32, #tpu.memory_space<vmem>>
          %dma_start3A_39 = arith.constant 0 : i32
          %dma_start3A_40 = arith.constant 0 : i32
          %dma_start3A_41 = tpu.memref_slice %arg14[%dma_start3A_39, %dma_start3A_40] : memref<5120x128xf32, #tpu.memory_space<vmem_shared>> -> memref<5120x128xf32, #tpu.memory_space<vmem_shared>>
          tpu.enqueue_indirect_dma source(%arg21 : memref<128x128xf32, #tpu.memory_space<vmem>>) target(%dma_start3A_41 : memref<5120x128xf32, #tpu.memory_space<vmem_shared>>) offsets(%dma_start3A_38 : memref<128xi32, #tpu.memory_space<vmem>>) semaphore(%run_scoped3A : memref<!tpu.dma_semaphore, #tpu.memory_space<semaphore_mem>>) {add = true}
          %dma_wait3A = arith.constant 0 : i32
          %dma_wait3A_42 = tpu.memref_slice %arg16[%scan3A_35, %dma_wait3A] : memref<158x128xi32, #tpu.memory_space<vmem>> -> memref<1x128xi32, #tpu.memory_space<vmem>>
          %dma_wait3A_43 = tpu.memref_squeeze %dma_wait3A_42 : memref<1x128xi32, #tpu.memory_space<vmem>> -> memref<128xi32, #tpu.memory_space<vmem>>
          %dma_wait3A_44 = arith.constant 0 : i32
          %dma_wait3A_45 = arith.constant 0 : i32
          %dma_wait3A_46 = tpu.memref_slice %arg14[%dma_wait3A_44, %dma_wait3A_45] : memref<5120x128xf32, #tpu.memory_space<vmem_shared>> -> memref<5120x128xf32, #tpu.memory_space<vmem_shared>>
          tpu.wait_indirect_dma semaphore(%run_scoped3A : memref<!tpu.dma_semaphore, #tpu.memory_space<semaphore_mem>>) src(%arg21 : memref<128x128xf32, #tpu.memory_space<vmem>>) dst(%dma_wait3A_46 : memref<5120x128xf32, #tpu.memory_space<vmem_shared>>)
          tpu.yield
        }) : () -> ()
      }
      %scan3A_33 = arith.constant 158 : i32
      %barrier3A_34 = arith.constant 0 : index
      tpu.barrier barrier_id(%barrier3A_34)
      "tpu.region"() ({
        %run_scoped3A = tpu.sem_alloc : memref<!tpu.dma_semaphore, #tpu.memory_space<semaphore_mem>>
        %dma_start3A_35 = arith.constant 0 : i32
        %dma_start3A_36 = tpu.memref_slice %arg13[%mul3A_0, %dma_start3A_35] : memref<5120x128xf32, #tpu.memory_space<hbm>> -> memref<320x128xf32, #tpu.memory_space<hbm>>
        %dma_start3A_37 = arith.constant 0 : i32
        %dma_start3A_38 = tpu.memref_slice %arg14[%mul3A_0, %dma_start3A_37] : memref<5120x128xf32, #tpu.memory_space<vmem_shared>> -> memref<320x128xf32, #tpu.memory_space<vmem_shared>>
        tpu.enqueue_dma source(%dma_start3A_38 : memref<320x128xf32, #tpu.memory_space<vmem_shared>>) target(%dma_start3A_36 : memref<320x128xf32, #tpu.memory_space<hbm>>) target_semaphore(%run_scoped3A : memref<!tpu.dma_semaphore, #tpu.memory_space<semaphore_mem>>)
        %dma_wait3A = arith.constant 0 : i32
        %dma_wait3A_39 = tpu.memref_slice %arg13[%mul3A_0, %dma_wait3A] : memref<5120x128xf32, #tpu.memory_space<hbm>> -> memref<320x128xf32, #tpu.memory_space<hbm>>
        %dma_wait3A_40 = arith.constant 0 : i32
        %dma_wait3A_41 = tpu.memref_slice %arg14[%mul3A_0, %dma_wait3A_40] : memref<5120x128xf32, #tpu.memory_space<vmem_shared>> -> memref<320x128xf32, #tpu.memory_space<vmem_shared>>
        tpu.wait_dma2 semaphore(%run_scoped3A : memref<!tpu.dma_semaphore, #tpu.memory_space<semaphore_mem>>) src(%dma_wait3A_41 : memref<320x128xf32, #tpu.memory_space<vmem_shared>>) dst(%dma_wait3A_39 : memref<320x128xf32, #tpu.memory_space<hbm>>)
        tpu.yield
      }) : () -> ()
    } else {
    }
    return
  }
}

#map = affine_map<(d0, d1) -> (0, 0)>
#map1 = affine_map<(d0, d1) -> (0, 0, 0)>
module attributes {stable_mosaic.version = 14 : i64} {
  func.func @agg(%arg0: i32, %arg1: i32, %arg2: memref<5120x128xf32, #tpu.memory_space<hbm>>, %arg3: memref<5120x128xf32, #tpu.memory_space<hbm>>, %arg4: memref<16x158x128xi32, #tpu.memory_space<hbm>>, %arg5: memref<16x158x128xi32, #tpu.memory_space<hbm>>, %arg6: memref<16x158x128xi32, #tpu.memory_space<hbm>>, %arg7: memref<16x158x128xi32, #tpu.memory_space<hbm>>, %arg8: memref<5120x128xf32, #tpu.memory_space<hbm>>, %arg9: memref<5120x128xf32, #tpu.memory_space<hbm>>, %arg10: memref<5120x128xf32, #tpu.memory_space<hbm>>, %arg11: memref<5120x128xf32, #tpu.memory_space<vmem_shared>>, %arg12: memref<158x128xi32, #tpu.memory_space<vmem>>, %arg13: memref<158x128xi32, #tpu.memory_space<vmem>>, %arg14: memref<128x128xf32, #tpu.memory_space<vmem>>, %arg15: memref<128x128xf32, #tpu.memory_space<vmem>>, %arg16: memref<!tpu.dma_semaphore, #tpu.memory_space<semaphore_mem>>, %arg17: memref<!tpu.dma_semaphore, #tpu.memory_space<semaphore_mem>>) attributes {dimension_semantics = [#tpu.dimension_semantics<core_parallel>, #tpu.dimension_semantics<subcore_parallel>], iteration_bounds = array<i64: 2, 16>, scalar_prefetch = 0 : i64, scratch_operands = 7 : i64, tpu.core_type = #tpu.core_type<sc_vector_subcore>, window_params = [{transform_indices = #map}, {transform_indices = #map}, {transform_indices = #map1}, {transform_indices = #map1}, {transform_indices = #map1}, {transform_indices = #map1}, {transform_indices = #map}, {transform_indices = #map}, {transform_indices = #map}]} {
    %mul3A = arith.constant 320 : i32
    %mul3A_0 = arith.muli %arg1, %mul3A : i32
    %eq3A = arith.constant 0 : i32
    %eq3A_1 = arith.cmpi eq, %arg0, %eq3A : i32
    %convert_element_type3A = arith.extui %eq3A_1 : i1 to i32
    %cond3A = arith.constant 0 : i32
    %cond3A_2 = arith.cmpi ne, %convert_element_type3A, %cond3A : i32
    scf.if %cond3A_2 {
      "tpu.region"() ({
        %run_scoped3A = tpu.sem_alloc : memref<!tpu.dma_semaphore, #tpu.memory_space<semaphore_mem>>
        %dma_start3A_27 = arith.constant 0 : i32
        %dma_start3A_28 = arith.constant 0 : i32
        %dma_start3A_29 = tpu.memref_slice %arg4[%arg1, %dma_start3A_27, %dma_start3A_28] : memref<16x158x128xi32, #tpu.memory_space<hbm>> -> memref<1x158x128xi32, #tpu.memory_space<hbm>>
        %dma_start3A_30 = tpu.memref_squeeze %dma_start3A_29 : memref<1x158x128xi32, #tpu.memory_space<hbm>> -> memref<158x128xi32, #tpu.memory_space<hbm>>
        %dma_start3A_31 = arith.constant 0 : i32
        %dma_start3A_32 = arith.constant 0 : i32
        %dma_start3A_33 = tpu.memref_slice %arg4[%arg1, %dma_start3A_31, %dma_start3A_32] : memref<16x158x128xi32, #tpu.memory_space<hbm>> -> memref<1x158x128xi32, #tpu.memory_space<hbm>>
        %dma_start3A_34 = tpu.memref_squeeze %dma_start3A_33 : memref<1x158x128xi32, #tpu.memory_space<hbm>> -> memref<158x128xi32, #tpu.memory_space<hbm>>
        tpu.enqueue_dma source(%dma_start3A_34 : memref<158x128xi32, #tpu.memory_space<hbm>>) target(%arg12 : memref<158x128xi32, #tpu.memory_space<vmem>>) target_semaphore(%run_scoped3A : memref<!tpu.dma_semaphore, #tpu.memory_space<semaphore_mem>>)
        %dma_wait3A = arith.constant 0 : i32
        %dma_wait3A_35 = arith.constant 0 : i32
        %dma_wait3A_36 = tpu.memref_slice %arg4[%arg1, %dma_wait3A, %dma_wait3A_35] : memref<16x158x128xi32, #tpu.memory_space<hbm>> -> memref<1x158x128xi32, #tpu.memory_space<hbm>>
        %dma_wait3A_37 = tpu.memref_squeeze %dma_wait3A_36 : memref<1x158x128xi32, #tpu.memory_space<hbm>> -> memref<158x128xi32, #tpu.memory_space<hbm>>
        %dma_wait3A_38 = arith.constant 0 : i32
        %dma_wait3A_39 = arith.constant 0 : i32
        %dma_wait3A_40 = tpu.memref_slice %arg4[%arg1, %dma_wait3A_38, %dma_wait3A_39] : memref<16x158x128xi32, #tpu.memory_space<hbm>> -> memref<1x158x128xi32, #tpu.memory_space<hbm>>
        %dma_wait3A_41 = tpu.memref_squeeze %dma_wait3A_40 : memref<1x158x128xi32, #tpu.memory_space<hbm>> -> memref<158x128xi32, #tpu.memory_space<hbm>>
        tpu.wait_dma2 semaphore(%run_scoped3A : memref<!tpu.dma_semaphore, #tpu.memory_space<semaphore_mem>>) src(%dma_wait3A_41 : memref<158x128xi32, #tpu.memory_space<hbm>>) dst(%arg12 : memref<158x128xi32, #tpu.memory_space<vmem>>)
        tpu.yield
      }) : () -> ()
      "tpu.region"() ({
        %run_scoped3A = tpu.sem_alloc : memref<!tpu.dma_semaphore, #tpu.memory_space<semaphore_mem>>
        %dma_start3A_27 = arith.constant 0 : i32
        %dma_start3A_28 = arith.constant 0 : i32
        %dma_start3A_29 = tpu.memref_slice %arg5[%arg1, %dma_start3A_27, %dma_start3A_28] : memref<16x158x128xi32, #tpu.memory_space<hbm>> -> memref<1x158x128xi32, #tpu.memory_space<hbm>>
        %dma_start3A_30 = tpu.memref_squeeze %dma_start3A_29 : memref<1x158x128xi32, #tpu.memory_space<hbm>> -> memref<158x128xi32, #tpu.memory_space<hbm>>
        %dma_start3A_31 = arith.constant 0 : i32
        %dma_start3A_32 = arith.constant 0 : i32
        %dma_start3A_33 = tpu.memref_slice %arg5[%arg1, %dma_start3A_31, %dma_start3A_32] : memref<16x158x128xi32, #tpu.memory_space<hbm>> -> memref<1x158x128xi32, #tpu.memory_space<hbm>>
        %dma_start3A_34 = tpu.memref_squeeze %dma_start3A_33 : memref<1x158x128xi32, #tpu.memory_space<hbm>> -> memref<158x128xi32, #tpu.memory_space<hbm>>
        tpu.enqueue_dma source(%dma_start3A_34 : memref<158x128xi32, #tpu.memory_space<hbm>>) target(%arg13 : memref<158x128xi32, #tpu.memory_space<vmem>>) target_semaphore(%run_scoped3A : memref<!tpu.dma_semaphore, #tpu.memory_space<semaphore_mem>>)
        %dma_wait3A = arith.constant 0 : i32
        %dma_wait3A_35 = arith.constant 0 : i32
        %dma_wait3A_36 = tpu.memref_slice %arg5[%arg1, %dma_wait3A, %dma_wait3A_35] : memref<16x158x128xi32, #tpu.memory_space<hbm>> -> memref<1x158x128xi32, #tpu.memory_space<hbm>>
        %dma_wait3A_37 = tpu.memref_squeeze %dma_wait3A_36 : memref<1x158x128xi32, #tpu.memory_space<hbm>> -> memref<158x128xi32, #tpu.memory_space<hbm>>
        %dma_wait3A_38 = arith.constant 0 : i32
        %dma_wait3A_39 = arith.constant 0 : i32
        %dma_wait3A_40 = tpu.memref_slice %arg5[%arg1, %dma_wait3A_38, %dma_wait3A_39] : memref<16x158x128xi32, #tpu.memory_space<hbm>> -> memref<1x158x128xi32, #tpu.memory_space<hbm>>
        %dma_wait3A_41 = tpu.memref_squeeze %dma_wait3A_40 : memref<1x158x128xi32, #tpu.memory_space<hbm>> -> memref<158x128xi32, #tpu.memory_space<hbm>>
        tpu.wait_dma2 semaphore(%run_scoped3A : memref<!tpu.dma_semaphore, #tpu.memory_space<semaphore_mem>>) src(%dma_wait3A_41 : memref<158x128xi32, #tpu.memory_space<hbm>>) dst(%arg13 : memref<158x128xi32, #tpu.memory_space<vmem>>)
        tpu.yield
      }) : () -> ()
      "tpu.region"() ({
        %run_scoped3A = tpu.sem_alloc : memref<!tpu.dma_semaphore, #tpu.memory_space<semaphore_mem>>
        %dma_start3A_27 = arith.constant 0 : i32
        %dma_start3A_28 = tpu.memref_slice %arg11[%mul3A_0, %dma_start3A_27] : memref<5120x128xf32, #tpu.memory_space<vmem_shared>> -> memref<320x128xf32, #tpu.memory_space<vmem_shared>>
        %dma_start3A_29 = arith.constant 0 : i32
        %dma_start3A_30 = tpu.memref_slice %arg8[%mul3A_0, %dma_start3A_29] : memref<5120x128xf32, #tpu.memory_space<hbm>> -> memref<320x128xf32, #tpu.memory_space<hbm>>
        tpu.enqueue_dma source(%dma_start3A_30 : memref<320x128xf32, #tpu.memory_space<hbm>>) target(%dma_start3A_28 : memref<320x128xf32, #tpu.memory_space<vmem_shared>>) target_semaphore(%run_scoped3A : memref<!tpu.dma_semaphore, #tpu.memory_space<semaphore_mem>>)
        %dma_wait3A = arith.constant 0 : i32
        %dma_wait3A_31 = tpu.memref_slice %arg11[%mul3A_0, %dma_wait3A] : memref<5120x128xf32, #tpu.memory_space<vmem_shared>> -> memref<320x128xf32, #tpu.memory_space<vmem_shared>>
        %dma_wait3A_32 = arith.constant 0 : i32
        %dma_wait3A_33 = tpu.memref_slice %arg8[%mul3A_0, %dma_wait3A_32] : memref<5120x128xf32, #tpu.memory_space<hbm>> -> memref<320x128xf32, #tpu.memory_space<hbm>>
        tpu.wait_dma2 semaphore(%run_scoped3A : memref<!tpu.dma_semaphore, #tpu.memory_space<semaphore_mem>>) src(%dma_wait3A_33 : memref<320x128xf32, #tpu.memory_space<hbm>>) dst(%dma_wait3A_31 : memref<320x128xf32, #tpu.memory_space<vmem_shared>>)
        tpu.yield
      }) : () -> ()
      %barrier3A = arith.constant 0 : index
      tpu.barrier barrier_id(%barrier3A)
      %dma_start3A = arith.constant 0 : i32
      %dma_start3A_8 = arith.constant 0 : i32
      %dma_start3A_9 = tpu.memref_slice %arg12[%dma_start3A, %dma_start3A_8] : memref<158x128xi32, #tpu.memory_space<vmem>> -> memref<1x128xi32, #tpu.memory_space<vmem>>
      %dma_start3A_10 = tpu.memref_squeeze %dma_start3A_9 : memref<1x128xi32, #tpu.memory_space<vmem>> -> memref<128xi32, #tpu.memory_space<vmem>>
      %dma_start3A_11 = arith.constant 0 : i32
      %dma_start3A_12 = arith.constant 0 : i32
      %dma_start3A_13 = tpu.memref_slice %arg2[%dma_start3A_11, %dma_start3A_12] : memref<5120x128xf32, #tpu.memory_space<hbm>> -> memref<5120x128xf32, #tpu.memory_space<hbm>>
      tpu.enqueue_indirect_dma source(%dma_start3A_13 : memref<5120x128xf32, #tpu.memory_space<hbm>>) target(%arg14 : memref<128x128xf32, #tpu.memory_space<vmem>>) offsets(%dma_start3A_10 : memref<128xi32, #tpu.memory_space<vmem>>) semaphore(%arg16 : memref<!tpu.dma_semaphore, #tpu.memory_space<semaphore_mem>>)
      %dma_start3A_14 = arith.constant 1 : i32
      %dma_start3A_15 = arith.constant 0 : i32
      %dma_start3A_16 = tpu.memref_slice %arg12[%dma_start3A_14, %dma_start3A_15] : memref<158x128xi32, #tpu.memory_space<vmem>> -> memref<1x128xi32, #tpu.memory_space<vmem>>
      %dma_start3A_17 = tpu.memref_squeeze %dma_start3A_16 : memref<1x128xi32, #tpu.memory_space<vmem>> -> memref<128xi32, #tpu.memory_space<vmem>>
      %dma_start3A_18 = arith.constant 0 : i32
      %dma_start3A_19 = arith.constant 0 : i32
      %dma_start3A_20 = tpu.memref_slice %arg2[%dma_start3A_18, %dma_start3A_19] : memref<5120x128xf32, #tpu.memory_space<hbm>> -> memref<5120x128xf32, #tpu.memory_space<hbm>>
      tpu.enqueue_indirect_dma source(%dma_start3A_20 : memref<5120x128xf32, #tpu.memory_space<hbm>>) target(%arg15 : memref<128x128xf32, #tpu.memory_space<vmem>>) offsets(%dma_start3A_17 : memref<128xi32, #tpu.memory_space<vmem>>) semaphore(%arg17 : memref<!tpu.dma_semaphore, #tpu.memory_space<semaphore_mem>>)
      %scan3A = arith.constant 0 : i32
      %scan3A_21 = arith.constant 0 : i32
      %scan3A_22 = arith.constant 79 : i32
      %scan3A_23 = arith.addi %scan3A_21, %scan3A_22 : i32
      %scan3A_24 = arith.constant 1 : i32
      scf.for %scan3A_27 = %scan3A_21 to %scan3A_23 step %scan3A_24  : i32 {
        %mul3A_28 = arith.constant 2 : i32
        %mul3A_29 = arith.muli %mul3A_28, %scan3A_27 : i32
        %mul3A_30 = arith.constant 2 : i32
        %mul3A_31 = arith.muli %mul3A_30, %scan3A_27 : i32
        %add3A = arith.constant 1 : i32
        %add3A_32 = arith.addi %mul3A_31, %add3A : i32
        %dma_wait3A = arith.constant 0 : i32
        %dma_wait3A_33 = tpu.memref_slice %arg12[%mul3A_29, %dma_wait3A] : memref<158x128xi32, #tpu.memory_space<vmem>> -> memref<1x128xi32, #tpu.memory_space<vmem>>
        %dma_wait3A_34 = tpu.memref_squeeze %dma_wait3A_33 : memref<1x128xi32, #tpu.memory_space<vmem>> -> memref<128xi32, #tpu.memory_space<vmem>>
        %dma_wait3A_35 = arith.constant 0 : i32
        %dma_wait3A_36 = arith.constant 0 : i32
        %dma_wait3A_37 = tpu.memref_slice %arg2[%dma_wait3A_35, %dma_wait3A_36] : memref<5120x128xf32, #tpu.memory_space<hbm>> -> memref<5120x128xf32, #tpu.memory_space<hbm>>
        tpu.wait_indirect_dma semaphore(%arg16 : memref<!tpu.dma_semaphore, #tpu.memory_space<semaphore_mem>>) src(%dma_wait3A_37 : memref<5120x128xf32, #tpu.memory_space<hbm>>) dst(%arg14 : memref<128x128xf32, #tpu.memory_space<vmem>>)
        "tpu.region"() ({
          %run_scoped3A = tpu.sem_alloc : memref<!tpu.dma_semaphore, #tpu.memory_space<semaphore_mem>>
          %dma_start3A_57 = arith.constant 0 : i32
          %dma_start3A_58 = tpu.memref_slice %arg13[%mul3A_29, %dma_start3A_57] : memref<158x128xi32, #tpu.memory_space<vmem>> -> memref<1x128xi32, #tpu.memory_space<vmem>>
          %dma_start3A_59 = tpu.memref_squeeze %dma_start3A_58 : memref<1x128xi32, #tpu.memory_space<vmem>> -> memref<128xi32, #tpu.memory_space<vmem>>
          %dma_start3A_60 = arith.constant 0 : i32
          %dma_start3A_61 = arith.constant 0 : i32
          %dma_start3A_62 = tpu.memref_slice %arg11[%dma_start3A_60, %dma_start3A_61] : memref<5120x128xf32, #tpu.memory_space<vmem_shared>> -> memref<5120x128xf32, #tpu.memory_space<vmem_shared>>
          tpu.enqueue_indirect_dma source(%arg14 : memref<128x128xf32, #tpu.memory_space<vmem>>) target(%dma_start3A_62 : memref<5120x128xf32, #tpu.memory_space<vmem_shared>>) offsets(%dma_start3A_59 : memref<128xi32, #tpu.memory_space<vmem>>) semaphore(%run_scoped3A : memref<!tpu.dma_semaphore, #tpu.memory_space<semaphore_mem>>) {add = true}
          %dma_wait3A_63 = arith.constant 0 : i32
          %dma_wait3A_64 = tpu.memref_slice %arg13[%mul3A_29, %dma_wait3A_63] : memref<158x128xi32, #tpu.memory_space<vmem>> -> memref<1x128xi32, #tpu.memory_space<vmem>>
          %dma_wait3A_65 = tpu.memref_squeeze %dma_wait3A_64 : memref<1x128xi32, #tpu.memory_space<vmem>> -> memref<128xi32, #tpu.memory_space<vmem>>
          %dma_wait3A_66 = arith.constant 0 : i32
          %dma_wait3A_67 = arith.constant 0 : i32
          %dma_wait3A_68 = tpu.memref_slice %arg11[%dma_wait3A_66, %dma_wait3A_67] : memref<5120x128xf32, #tpu.memory_space<vmem_shared>> -> memref<5120x128xf32, #tpu.memory_space<vmem_shared>>
          tpu.wait_indirect_dma semaphore(%run_scoped3A : memref<!tpu.dma_semaphore, #tpu.memory_space<semaphore_mem>>) src(%arg14 : memref<128x128xf32, #tpu.memory_space<vmem>>) dst(%dma_wait3A_68 : memref<5120x128xf32, #tpu.memory_space<vmem_shared>>)
          tpu.yield
        }) : () -> ()
        %add3A_38 = arith.constant 2 : i32
        %add3A_39 = arith.addi %mul3A_29, %add3A_38 : i32
        %lt3A = arith.constant 158 : i32
        %lt3A_40 = arith.cmpi slt, %add3A_39, %lt3A : i32
        %convert_element_type3A_41 = arith.extui %lt3A_40 : i1 to i32
        %cond3A_42 = arith.constant 0 : i32
        %cond3A_43 = arith.cmpi ne, %convert_element_type3A_41, %cond3A_42 : i32
        scf.if %cond3A_43 {
          %add3A_57 = arith.constant 2 : i32
          %add3A_58 = arith.addi %mul3A_29, %add3A_57 : i32
          %dma_start3A_59 = arith.constant 0 : i32
          %dma_start3A_60 = tpu.memref_slice %arg12[%add3A_58, %dma_start3A_59] : memref<158x128xi32, #tpu.memory_space<vmem>> -> memref<1x128xi32, #tpu.memory_space<vmem>>
          %dma_start3A_61 = tpu.memref_squeeze %dma_start3A_60 : memref<1x128xi32, #tpu.memory_space<vmem>> -> memref<128xi32, #tpu.memory_space<vmem>>
          %dma_start3A_62 = arith.constant 0 : i32
          %dma_start3A_63 = arith.constant 0 : i32
          %dma_start3A_64 = tpu.memref_slice %arg2[%dma_start3A_62, %dma_start3A_63] : memref<5120x128xf32, #tpu.memory_space<hbm>> -> memref<5120x128xf32, #tpu.memory_space<hbm>>
          tpu.enqueue_indirect_dma source(%dma_start3A_64 : memref<5120x128xf32, #tpu.memory_space<hbm>>) target(%arg14 : memref<128x128xf32, #tpu.memory_space<vmem>>) offsets(%dma_start3A_61 : memref<128xi32, #tpu.memory_space<vmem>>) semaphore(%arg16 : memref<!tpu.dma_semaphore, #tpu.memory_space<semaphore_mem>>)
        } else {
        }
        %dma_wait3A_44 = arith.constant 0 : i32
        %dma_wait3A_45 = tpu.memref_slice %arg12[%add3A_32, %dma_wait3A_44] : memref<158x128xi32, #tpu.memory_space<vmem>> -> memref<1x128xi32, #tpu.memory_space<vmem>>
        %dma_wait3A_46 = tpu.memref_squeeze %dma_wait3A_45 : memref<1x128xi32, #tpu.memory_space<vmem>> -> memref<128xi32, #tpu.memory_space<vmem>>
        %dma_wait3A_47 = arith.constant 0 : i32
        %dma_wait3A_48 = arith.constant 0 : i32
        %dma_wait3A_49 = tpu.memref_slice %arg2[%dma_wait3A_47, %dma_wait3A_48] : memref<5120x128xf32, #tpu.memory_space<hbm>> -> memref<5120x128xf32, #tpu.memory_space<hbm>>
        tpu.wait_indirect_dma semaphore(%arg17 : memref<!tpu.dma_semaphore, #tpu.memory_space<semaphore_mem>>) src(%dma_wait3A_49 : memref<5120x128xf32, #tpu.memory_space<hbm>>) dst(%arg15 : memref<128x128xf32, #tpu.memory_space<vmem>>)
        "tpu.region"() ({
          %run_scoped3A = tpu.sem_alloc : memref<!tpu.dma_semaphore, #tpu.memory_space<semaphore_mem>>
          %dma_start3A_57 = arith.constant 0 : i32
          %dma_start3A_58 = tpu.memref_slice %arg13[%add3A_32, %dma_start3A_57] : memref<158x128xi32, #tpu.memory_space<vmem>> -> memref<1x128xi32, #tpu.memory_space<vmem>>
          %dma_start3A_59 = tpu.memref_squeeze %dma_start3A_58 : memref<1x128xi32, #tpu.memory_space<vmem>> -> memref<128xi32, #tpu.memory_space<vmem>>
          %dma_start3A_60 = arith.constant 0 : i32
          %dma_start3A_61 = arith.constant 0 : i32
          %dma_start3A_62 = tpu.memref_slice %arg11[%dma_start3A_60, %dma_start3A_61] : memref<5120x128xf32, #tpu.memory_space<vmem_shared>> -> memref<5120x128xf32, #tpu.memory_space<vmem_shared>>
          tpu.enqueue_indirect_dma source(%arg15 : memref<128x128xf32, #tpu.memory_space<vmem>>) target(%dma_start3A_62 : memref<5120x128xf32, #tpu.memory_space<vmem_shared>>) offsets(%dma_start3A_59 : memref<128xi32, #tpu.memory_space<vmem>>) semaphore(%run_scoped3A : memref<!tpu.dma_semaphore, #tpu.memory_space<semaphore_mem>>) {add = true}
          %dma_wait3A_63 = arith.constant 0 : i32
          %dma_wait3A_64 = tpu.memref_slice %arg13[%add3A_32, %dma_wait3A_63] : memref<158x128xi32, #tpu.memory_space<vmem>> -> memref<1x128xi32, #tpu.memory_space<vmem>>
          %dma_wait3A_65 = tpu.memref_squeeze %dma_wait3A_64 : memref<1x128xi32, #tpu.memory_space<vmem>> -> memref<128xi32, #tpu.memory_space<vmem>>
          %dma_wait3A_66 = arith.constant 0 : i32
          %dma_wait3A_67 = arith.constant 0 : i32
          %dma_wait3A_68 = tpu.memref_slice %arg11[%dma_wait3A_66, %dma_wait3A_67] : memref<5120x128xf32, #tpu.memory_space<vmem_shared>> -> memref<5120x128xf32, #tpu.memory_space<vmem_shared>>
          tpu.wait_indirect_dma semaphore(%run_scoped3A : memref<!tpu.dma_semaphore, #tpu.memory_space<semaphore_mem>>) src(%arg15 : memref<128x128xf32, #tpu.memory_space<vmem>>) dst(%dma_wait3A_68 : memref<5120x128xf32, #tpu.memory_space<vmem_shared>>)
          tpu.yield
        }) : () -> ()
        %add3A_50 = arith.constant 2 : i32
        %add3A_51 = arith.addi %add3A_32, %add3A_50 : i32
        %lt3A_52 = arith.constant 158 : i32
        %lt3A_53 = arith.cmpi slt, %add3A_51, %lt3A_52 : i32
        %convert_element_type3A_54 = arith.extui %lt3A_53 : i1 to i32
        %cond3A_55 = arith.constant 0 : i32
        %cond3A_56 = arith.cmpi ne, %convert_element_type3A_54, %cond3A_55 : i32
        scf.if %cond3A_56 {
          %add3A_57 = arith.constant 2 : i32
          %add3A_58 = arith.addi %add3A_32, %add3A_57 : i32
          %dma_start3A_59 = arith.constant 0 : i32
          %dma_start3A_60 = tpu.memref_slice %arg12[%add3A_58, %dma_start3A_59] : memref<158x128xi32, #tpu.memory_space<vmem>> -> memref<1x128xi32, #tpu.memory_space<vmem>>
          %dma_start3A_61 = tpu.memref_squeeze %dma_start3A_60 : memref<1x128xi32, #tpu.memory_space<vmem>> -> memref<128xi32, #tpu.memory_space<vmem>>
          %dma_start3A_62 = arith.constant 0 : i32
          %dma_start3A_63 = arith.constant 0 : i32
          %dma_start3A_64 = tpu.memref_slice %arg2[%dma_start3A_62, %dma_start3A_63] : memref<5120x128xf32, #tpu.memory_space<hbm>> -> memref<5120x128xf32, #tpu.memory_space<hbm>>
          tpu.enqueue_indirect_dma source(%dma_start3A_64 : memref<5120x128xf32, #tpu.memory_space<hbm>>) target(%arg15 : memref<128x128xf32, #tpu.memory_space<vmem>>) offsets(%dma_start3A_61 : memref<128xi32, #tpu.memory_space<vmem>>) semaphore(%arg17 : memref<!tpu.dma_semaphore, #tpu.memory_space<semaphore_mem>>)
        } else {
        }
      }
      %scan3A_25 = arith.constant 79 : i32
      %barrier3A_26 = arith.constant 0 : index
      tpu.barrier barrier_id(%barrier3A_26)
      "tpu.region"() ({
        %run_scoped3A = tpu.sem_alloc : memref<!tpu.dma_semaphore, #tpu.memory_space<semaphore_mem>>
        %dma_start3A_27 = arith.constant 0 : i32
        %dma_start3A_28 = tpu.memref_slice %arg9[%mul3A_0, %dma_start3A_27] : memref<5120x128xf32, #tpu.memory_space<hbm>> -> memref<320x128xf32, #tpu.memory_space<hbm>>
        %dma_start3A_29 = arith.constant 0 : i32
        %dma_start3A_30 = tpu.memref_slice %arg11[%mul3A_0, %dma_start3A_29] : memref<5120x128xf32, #tpu.memory_space<vmem_shared>> -> memref<320x128xf32, #tpu.memory_space<vmem_shared>>
        tpu.enqueue_dma source(%dma_start3A_30 : memref<320x128xf32, #tpu.memory_space<vmem_shared>>) target(%dma_start3A_28 : memref<320x128xf32, #tpu.memory_space<hbm>>) target_semaphore(%run_scoped3A : memref<!tpu.dma_semaphore, #tpu.memory_space<semaphore_mem>>)
        %dma_wait3A = arith.constant 0 : i32
        %dma_wait3A_31 = tpu.memref_slice %arg9[%mul3A_0, %dma_wait3A] : memref<5120x128xf32, #tpu.memory_space<hbm>> -> memref<320x128xf32, #tpu.memory_space<hbm>>
        %dma_wait3A_32 = arith.constant 0 : i32
        %dma_wait3A_33 = tpu.memref_slice %arg11[%mul3A_0, %dma_wait3A_32] : memref<5120x128xf32, #tpu.memory_space<vmem_shared>> -> memref<320x128xf32, #tpu.memory_space<vmem_shared>>
        tpu.wait_dma2 semaphore(%run_scoped3A : memref<!tpu.dma_semaphore, #tpu.memory_space<semaphore_mem>>) src(%dma_wait3A_33 : memref<320x128xf32, #tpu.memory_space<vmem_shared>>) dst(%dma_wait3A_31 : memref<320x128xf32, #tpu.memory_space<hbm>>)
        tpu.yield
      }) : () -> ()
    } else {
    }
    %eq3A_3 = arith.constant 1 : i32
    %eq3A_4 = arith.cmpi eq, %arg0, %eq3A_3 : i32
    %convert_element_type3A_5 = arith.extui %eq3A_4 : i1 to i32
    %cond3A_6 = arith.constant 0 : i32
    %cond3A_7 = arith.cmpi ne, %convert_element_type3A_5, %cond3A_6 : i32
    scf.if %cond3A_7 {
      "tpu.region"() ({
        %run_scoped3A = tpu.sem_alloc : memref<!tpu.dma_semaphore, #tpu.memory_space<semaphore_mem>>
        %dma_start3A_27 = arith.constant 0 : i32
        %dma_start3A_28 = arith.constant 0 : i32
        %dma_start3A_29 = tpu.memref_slice %arg6[%arg1, %dma_start3A_27, %dma_start3A_28] : memref<16x158x128xi32, #tpu.memory_space<hbm>> -> memref<1x158x128xi32, #tpu.memory_space<hbm>>
        %dma_start3A_30 = tpu.memref_squeeze %dma_start3A_29 : memref<1x158x128xi32, #tpu.memory_space<hbm>> -> memref<158x128xi32, #tpu.memory_space<hbm>>
        %dma_start3A_31 = arith.constant 0 : i32
        %dma_start3A_32 = arith.constant 0 : i32
        %dma_start3A_33 = tpu.memref_slice %arg6[%arg1, %dma_start3A_31, %dma_start3A_32] : memref<16x158x128xi32, #tpu.memory_space<hbm>> -> memref<1x158x128xi32, #tpu.memory_space<hbm>>
        %dma_start3A_34 = tpu.memref_squeeze %dma_start3A_33 : memref<1x158x128xi32, #tpu.memory_space<hbm>> -> memref<158x128xi32, #tpu.memory_space<hbm>>
        tpu.enqueue_dma source(%dma_start3A_34 : memref<158x128xi32, #tpu.memory_space<hbm>>) target(%arg12 : memref<158x128xi32, #tpu.memory_space<vmem>>) target_semaphore(%run_scoped3A : memref<!tpu.dma_semaphore, #tpu.memory_space<semaphore_mem>>)
        %dma_wait3A = arith.constant 0 : i32
        %dma_wait3A_35 = arith.constant 0 : i32
        %dma_wait3A_36 = tpu.memref_slice %arg6[%arg1, %dma_wait3A, %dma_wait3A_35] : memref<16x158x128xi32, #tpu.memory_space<hbm>> -> memref<1x158x128xi32, #tpu.memory_space<hbm>>
        %dma_wait3A_37 = tpu.memref_squeeze %dma_wait3A_36 : memref<1x158x128xi32, #tpu.memory_space<hbm>> -> memref<158x128xi32, #tpu.memory_space<hbm>>
        %dma_wait3A_38 = arith.constant 0 : i32
        %dma_wait3A_39 = arith.constant 0 : i32
        %dma_wait3A_40 = tpu.memref_slice %arg6[%arg1, %dma_wait3A_38, %dma_wait3A_39] : memref<16x158x128xi32, #tpu.memory_space<hbm>> -> memref<1x158x128xi32, #tpu.memory_space<hbm>>
        %dma_wait3A_41 = tpu.memref_squeeze %dma_wait3A_40 : memref<1x158x128xi32, #tpu.memory_space<hbm>> -> memref<158x128xi32, #tpu.memory_space<hbm>>
        tpu.wait_dma2 semaphore(%run_scoped3A : memref<!tpu.dma_semaphore, #tpu.memory_space<semaphore_mem>>) src(%dma_wait3A_41 : memref<158x128xi32, #tpu.memory_space<hbm>>) dst(%arg12 : memref<158x128xi32, #tpu.memory_space<vmem>>)
        tpu.yield
      }) : () -> ()
      "tpu.region"() ({
        %run_scoped3A = tpu.sem_alloc : memref<!tpu.dma_semaphore, #tpu.memory_space<semaphore_mem>>
        %dma_start3A_27 = arith.constant 0 : i32
        %dma_start3A_28 = arith.constant 0 : i32
        %dma_start3A_29 = tpu.memref_slice %arg7[%arg1, %dma_start3A_27, %dma_start3A_28] : memref<16x158x128xi32, #tpu.memory_space<hbm>> -> memref<1x158x128xi32, #tpu.memory_space<hbm>>
        %dma_start3A_30 = tpu.memref_squeeze %dma_start3A_29 : memref<1x158x128xi32, #tpu.memory_space<hbm>> -> memref<158x128xi32, #tpu.memory_space<hbm>>
        %dma_start3A_31 = arith.constant 0 : i32
        %dma_start3A_32 = arith.constant 0 : i32
        %dma_start3A_33 = tpu.memref_slice %arg7[%arg1, %dma_start3A_31, %dma_start3A_32] : memref<16x158x128xi32, #tpu.memory_space<hbm>> -> memref<1x158x128xi32, #tpu.memory_space<hbm>>
        %dma_start3A_34 = tpu.memref_squeeze %dma_start3A_33 : memref<1x158x128xi32, #tpu.memory_space<hbm>> -> memref<158x128xi32, #tpu.memory_space<hbm>>
        tpu.enqueue_dma source(%dma_start3A_34 : memref<158x128xi32, #tpu.memory_space<hbm>>) target(%arg13 : memref<158x128xi32, #tpu.memory_space<vmem>>) target_semaphore(%run_scoped3A : memref<!tpu.dma_semaphore, #tpu.memory_space<semaphore_mem>>)
        %dma_wait3A = arith.constant 0 : i32
        %dma_wait3A_35 = arith.constant 0 : i32
        %dma_wait3A_36 = tpu.memref_slice %arg7[%arg1, %dma_wait3A, %dma_wait3A_35] : memref<16x158x128xi32, #tpu.memory_space<hbm>> -> memref<1x158x128xi32, #tpu.memory_space<hbm>>
        %dma_wait3A_37 = tpu.memref_squeeze %dma_wait3A_36 : memref<1x158x128xi32, #tpu.memory_space<hbm>> -> memref<158x128xi32, #tpu.memory_space<hbm>>
        %dma_wait3A_38 = arith.constant 0 : i32
        %dma_wait3A_39 = arith.constant 0 : i32
        %dma_wait3A_40 = tpu.memref_slice %arg7[%arg1, %dma_wait3A_38, %dma_wait3A_39] : memref<16x158x128xi32, #tpu.memory_space<hbm>> -> memref<1x158x128xi32, #tpu.memory_space<hbm>>
        %dma_wait3A_41 = tpu.memref_squeeze %dma_wait3A_40 : memref<1x158x128xi32, #tpu.memory_space<hbm>> -> memref<158x128xi32, #tpu.memory_space<hbm>>
        tpu.wait_dma2 semaphore(%run_scoped3A : memref<!tpu.dma_semaphore, #tpu.memory_space<semaphore_mem>>) src(%dma_wait3A_41 : memref<158x128xi32, #tpu.memory_space<hbm>>) dst(%arg13 : memref<158x128xi32, #tpu.memory_space<vmem>>)
        tpu.yield
      }) : () -> ()
      "tpu.region"() ({
        %run_scoped3A = tpu.sem_alloc : memref<!tpu.dma_semaphore, #tpu.memory_space<semaphore_mem>>
        %dma_start3A_27 = arith.constant 0 : i32
        %dma_start3A_28 = tpu.memref_slice %arg11[%mul3A_0, %dma_start3A_27] : memref<5120x128xf32, #tpu.memory_space<vmem_shared>> -> memref<320x128xf32, #tpu.memory_space<vmem_shared>>
        %dma_start3A_29 = arith.constant 0 : i32
        %dma_start3A_30 = tpu.memref_slice %arg8[%mul3A_0, %dma_start3A_29] : memref<5120x128xf32, #tpu.memory_space<hbm>> -> memref<320x128xf32, #tpu.memory_space<hbm>>
        tpu.enqueue_dma source(%dma_start3A_30 : memref<320x128xf32, #tpu.memory_space<hbm>>) target(%dma_start3A_28 : memref<320x128xf32, #tpu.memory_space<vmem_shared>>) target_semaphore(%run_scoped3A : memref<!tpu.dma_semaphore, #tpu.memory_space<semaphore_mem>>)
        %dma_wait3A = arith.constant 0 : i32
        %dma_wait3A_31 = tpu.memref_slice %arg11[%mul3A_0, %dma_wait3A] : memref<5120x128xf32, #tpu.memory_space<vmem_shared>> -> memref<320x128xf32, #tpu.memory_space<vmem_shared>>
        %dma_wait3A_32 = arith.constant 0 : i32
        %dma_wait3A_33 = tpu.memref_slice %arg8[%mul3A_0, %dma_wait3A_32] : memref<5120x128xf32, #tpu.memory_space<hbm>> -> memref<320x128xf32, #tpu.memory_space<hbm>>
        tpu.wait_dma2 semaphore(%run_scoped3A : memref<!tpu.dma_semaphore, #tpu.memory_space<semaphore_mem>>) src(%dma_wait3A_33 : memref<320x128xf32, #tpu.memory_space<hbm>>) dst(%dma_wait3A_31 : memref<320x128xf32, #tpu.memory_space<vmem_shared>>)
        tpu.yield
      }) : () -> ()
      %barrier3A = arith.constant 0 : index
      tpu.barrier barrier_id(%barrier3A)
      %dma_start3A = arith.constant 0 : i32
      %dma_start3A_8 = arith.constant 0 : i32
      %dma_start3A_9 = tpu.memref_slice %arg12[%dma_start3A, %dma_start3A_8] : memref<158x128xi32, #tpu.memory_space<vmem>> -> memref<1x128xi32, #tpu.memory_space<vmem>>
      %dma_start3A_10 = tpu.memref_squeeze %dma_start3A_9 : memref<1x128xi32, #tpu.memory_space<vmem>> -> memref<128xi32, #tpu.memory_space<vmem>>
      %dma_start3A_11 = arith.constant 0 : i32
      %dma_start3A_12 = arith.constant 0 : i32
      %dma_start3A_13 = tpu.memref_slice %arg3[%dma_start3A_11, %dma_start3A_12] : memref<5120x128xf32, #tpu.memory_space<hbm>> -> memref<5120x128xf32, #tpu.memory_space<hbm>>
      tpu.enqueue_indirect_dma source(%dma_start3A_13 : memref<5120x128xf32, #tpu.memory_space<hbm>>) target(%arg14 : memref<128x128xf32, #tpu.memory_space<vmem>>) offsets(%dma_start3A_10 : memref<128xi32, #tpu.memory_space<vmem>>) semaphore(%arg16 : memref<!tpu.dma_semaphore, #tpu.memory_space<semaphore_mem>>)
      %dma_start3A_14 = arith.constant 1 : i32
      %dma_start3A_15 = arith.constant 0 : i32
      %dma_start3A_16 = tpu.memref_slice %arg12[%dma_start3A_14, %dma_start3A_15] : memref<158x128xi32, #tpu.memory_space<vmem>> -> memref<1x128xi32, #tpu.memory_space<vmem>>
      %dma_start3A_17 = tpu.memref_squeeze %dma_start3A_16 : memref<1x128xi32, #tpu.memory_space<vmem>> -> memref<128xi32, #tpu.memory_space<vmem>>
      %dma_start3A_18 = arith.constant 0 : i32
      %dma_start3A_19 = arith.constant 0 : i32
      %dma_start3A_20 = tpu.memref_slice %arg3[%dma_start3A_18, %dma_start3A_19] : memref<5120x128xf32, #tpu.memory_space<hbm>> -> memref<5120x128xf32, #tpu.memory_space<hbm>>
      tpu.enqueue_indirect_dma source(%dma_start3A_20 : memref<5120x128xf32, #tpu.memory_space<hbm>>) target(%arg15 : memref<128x128xf32, #tpu.memory_space<vmem>>) offsets(%dma_start3A_17 : memref<128xi32, #tpu.memory_space<vmem>>) semaphore(%arg17 : memref<!tpu.dma_semaphore, #tpu.memory_space<semaphore_mem>>)
      %scan3A = arith.constant 0 : i32
      %scan3A_21 = arith.constant 0 : i32
      %scan3A_22 = arith.constant 79 : i32
      %scan3A_23 = arith.addi %scan3A_21, %scan3A_22 : i32
      %scan3A_24 = arith.constant 1 : i32
      scf.for %scan3A_27 = %scan3A_21 to %scan3A_23 step %scan3A_24  : i32 {
        %mul3A_28 = arith.constant 2 : i32
        %mul3A_29 = arith.muli %mul3A_28, %scan3A_27 : i32
        %mul3A_30 = arith.constant 2 : i32
        %mul3A_31 = arith.muli %mul3A_30, %scan3A_27 : i32
        %add3A = arith.constant 1 : i32
        %add3A_32 = arith.addi %mul3A_31, %add3A : i32
        %dma_wait3A = arith.constant 0 : i32
        %dma_wait3A_33 = tpu.memref_slice %arg12[%mul3A_29, %dma_wait3A] : memref<158x128xi32, #tpu.memory_space<vmem>> -> memref<1x128xi32, #tpu.memory_space<vmem>>
        %dma_wait3A_34 = tpu.memref_squeeze %dma_wait3A_33 : memref<1x128xi32, #tpu.memory_space<vmem>> -> memref<128xi32, #tpu.memory_space<vmem>>
        %dma_wait3A_35 = arith.constant 0 : i32
        %dma_wait3A_36 = arith.constant 0 : i32
        %dma_wait3A_37 = tpu.memref_slice %arg3[%dma_wait3A_35, %dma_wait3A_36] : memref<5120x128xf32, #tpu.memory_space<hbm>> -> memref<5120x128xf32, #tpu.memory_space<hbm>>
        tpu.wait_indirect_dma semaphore(%arg16 : memref<!tpu.dma_semaphore, #tpu.memory_space<semaphore_mem>>) src(%dma_wait3A_37 : memref<5120x128xf32, #tpu.memory_space<hbm>>) dst(%arg14 : memref<128x128xf32, #tpu.memory_space<vmem>>)
        "tpu.region"() ({
          %run_scoped3A = tpu.sem_alloc : memref<!tpu.dma_semaphore, #tpu.memory_space<semaphore_mem>>
          %dma_start3A_57 = arith.constant 0 : i32
          %dma_start3A_58 = tpu.memref_slice %arg13[%mul3A_29, %dma_start3A_57] : memref<158x128xi32, #tpu.memory_space<vmem>> -> memref<1x128xi32, #tpu.memory_space<vmem>>
          %dma_start3A_59 = tpu.memref_squeeze %dma_start3A_58 : memref<1x128xi32, #tpu.memory_space<vmem>> -> memref<128xi32, #tpu.memory_space<vmem>>
          %dma_start3A_60 = arith.constant 0 : i32
          %dma_start3A_61 = arith.constant 0 : i32
          %dma_start3A_62 = tpu.memref_slice %arg11[%dma_start3A_60, %dma_start3A_61] : memref<5120x128xf32, #tpu.memory_space<vmem_shared>> -> memref<5120x128xf32, #tpu.memory_space<vmem_shared>>
          tpu.enqueue_indirect_dma source(%arg14 : memref<128x128xf32, #tpu.memory_space<vmem>>) target(%dma_start3A_62 : memref<5120x128xf32, #tpu.memory_space<vmem_shared>>) offsets(%dma_start3A_59 : memref<128xi32, #tpu.memory_space<vmem>>) semaphore(%run_scoped3A : memref<!tpu.dma_semaphore, #tpu.memory_space<semaphore_mem>>) {add = true}
          %dma_wait3A_63 = arith.constant 0 : i32
          %dma_wait3A_64 = tpu.memref_slice %arg13[%mul3A_29, %dma_wait3A_63] : memref<158x128xi32, #tpu.memory_space<vmem>> -> memref<1x128xi32, #tpu.memory_space<vmem>>
          %dma_wait3A_65 = tpu.memref_squeeze %dma_wait3A_64 : memref<1x128xi32, #tpu.memory_space<vmem>> -> memref<128xi32, #tpu.memory_space<vmem>>
          %dma_wait3A_66 = arith.constant 0 : i32
          %dma_wait3A_67 = arith.constant 0 : i32
          %dma_wait3A_68 = tpu.memref_slice %arg11[%dma_wait3A_66, %dma_wait3A_67] : memref<5120x128xf32, #tpu.memory_space<vmem_shared>> -> memref<5120x128xf32, #tpu.memory_space<vmem_shared>>
          tpu.wait_indirect_dma semaphore(%run_scoped3A : memref<!tpu.dma_semaphore, #tpu.memory_space<semaphore_mem>>) src(%arg14 : memref<128x128xf32, #tpu.memory_space<vmem>>) dst(%dma_wait3A_68 : memref<5120x128xf32, #tpu.memory_space<vmem_shared>>)
          tpu.yield
        }) : () -> ()
        %add3A_38 = arith.constant 2 : i32
        %add3A_39 = arith.addi %mul3A_29, %add3A_38 : i32
        %lt3A = arith.constant 158 : i32
        %lt3A_40 = arith.cmpi slt, %add3A_39, %lt3A : i32
        %convert_element_type3A_41 = arith.extui %lt3A_40 : i1 to i32
        %cond3A_42 = arith.constant 0 : i32
        %cond3A_43 = arith.cmpi ne, %convert_element_type3A_41, %cond3A_42 : i32
        scf.if %cond3A_43 {
          %add3A_57 = arith.constant 2 : i32
          %add3A_58 = arith.addi %mul3A_29, %add3A_57 : i32
          %dma_start3A_59 = arith.constant 0 : i32
          %dma_start3A_60 = tpu.memref_slice %arg12[%add3A_58, %dma_start3A_59] : memref<158x128xi32, #tpu.memory_space<vmem>> -> memref<1x128xi32, #tpu.memory_space<vmem>>
          %dma_start3A_61 = tpu.memref_squeeze %dma_start3A_60 : memref<1x128xi32, #tpu.memory_space<vmem>> -> memref<128xi32, #tpu.memory_space<vmem>>
          %dma_start3A_62 = arith.constant 0 : i32
          %dma_start3A_63 = arith.constant 0 : i32
          %dma_start3A_64 = tpu.memref_slice %arg3[%dma_start3A_62, %dma_start3A_63] : memref<5120x128xf32, #tpu.memory_space<hbm>> -> memref<5120x128xf32, #tpu.memory_space<hbm>>
          tpu.enqueue_indirect_dma source(%dma_start3A_64 : memref<5120x128xf32, #tpu.memory_space<hbm>>) target(%arg14 : memref<128x128xf32, #tpu.memory_space<vmem>>) offsets(%dma_start3A_61 : memref<128xi32, #tpu.memory_space<vmem>>) semaphore(%arg16 : memref<!tpu.dma_semaphore, #tpu.memory_space<semaphore_mem>>)
        } else {
        }
        %dma_wait3A_44 = arith.constant 0 : i32
        %dma_wait3A_45 = tpu.memref_slice %arg12[%add3A_32, %dma_wait3A_44] : memref<158x128xi32, #tpu.memory_space<vmem>> -> memref<1x128xi32, #tpu.memory_space<vmem>>
        %dma_wait3A_46 = tpu.memref_squeeze %dma_wait3A_45 : memref<1x128xi32, #tpu.memory_space<vmem>> -> memref<128xi32, #tpu.memory_space<vmem>>
        %dma_wait3A_47 = arith.constant 0 : i32
        %dma_wait3A_48 = arith.constant 0 : i32
        %dma_wait3A_49 = tpu.memref_slice %arg3[%dma_wait3A_47, %dma_wait3A_48] : memref<5120x128xf32, #tpu.memory_space<hbm>> -> memref<5120x128xf32, #tpu.memory_space<hbm>>
        tpu.wait_indirect_dma semaphore(%arg17 : memref<!tpu.dma_semaphore, #tpu.memory_space<semaphore_mem>>) src(%dma_wait3A_49 : memref<5120x128xf32, #tpu.memory_space<hbm>>) dst(%arg15 : memref<128x128xf32, #tpu.memory_space<vmem>>)
        "tpu.region"() ({
          %run_scoped3A = tpu.sem_alloc : memref<!tpu.dma_semaphore, #tpu.memory_space<semaphore_mem>>
          %dma_start3A_57 = arith.constant 0 : i32
          %dma_start3A_58 = tpu.memref_slice %arg13[%add3A_32, %dma_start3A_57] : memref<158x128xi32, #tpu.memory_space<vmem>> -> memref<1x128xi32, #tpu.memory_space<vmem>>
          %dma_start3A_59 = tpu.memref_squeeze %dma_start3A_58 : memref<1x128xi32, #tpu.memory_space<vmem>> -> memref<128xi32, #tpu.memory_space<vmem>>
          %dma_start3A_60 = arith.constant 0 : i32
          %dma_start3A_61 = arith.constant 0 : i32
          %dma_start3A_62 = tpu.memref_slice %arg11[%dma_start3A_60, %dma_start3A_61] : memref<5120x128xf32, #tpu.memory_space<vmem_shared>> -> memref<5120x128xf32, #tpu.memory_space<vmem_shared>>
          tpu.enqueue_indirect_dma source(%arg15 : memref<128x128xf32, #tpu.memory_space<vmem>>) target(%dma_start3A_62 : memref<5120x128xf32, #tpu.memory_space<vmem_shared>>) offsets(%dma_start3A_59 : memref<128xi32, #tpu.memory_space<vmem>>) semaphore(%run_scoped3A : memref<!tpu.dma_semaphore, #tpu.memory_space<semaphore_mem>>) {add = true}
          %dma_wait3A_63 = arith.constant 0 : i32
          %dma_wait3A_64 = tpu.memref_slice %arg13[%add3A_32, %dma_wait3A_63] : memref<158x128xi32, #tpu.memory_space<vmem>> -> memref<1x128xi32, #tpu.memory_space<vmem>>
          %dma_wait3A_65 = tpu.memref_squeeze %dma_wait3A_64 : memref<1x128xi32, #tpu.memory_space<vmem>> -> memref<128xi32, #tpu.memory_space<vmem>>
          %dma_wait3A_66 = arith.constant 0 : i32
          %dma_wait3A_67 = arith.constant 0 : i32
          %dma_wait3A_68 = tpu.memref_slice %arg11[%dma_wait3A_66, %dma_wait3A_67] : memref<5120x128xf32, #tpu.memory_space<vmem_shared>> -> memref<5120x128xf32, #tpu.memory_space<vmem_shared>>
          tpu.wait_indirect_dma semaphore(%run_scoped3A : memref<!tpu.dma_semaphore, #tpu.memory_space<semaphore_mem>>) src(%arg15 : memref<128x128xf32, #tpu.memory_space<vmem>>) dst(%dma_wait3A_68 : memref<5120x128xf32, #tpu.memory_space<vmem_shared>>)
          tpu.yield
        }) : () -> ()
        %add3A_50 = arith.constant 2 : i32
        %add3A_51 = arith.addi %add3A_32, %add3A_50 : i32
        %lt3A_52 = arith.constant 158 : i32
        %lt3A_53 = arith.cmpi slt, %add3A_51, %lt3A_52 : i32
        %convert_element_type3A_54 = arith.extui %lt3A_53 : i1 to i32
        %cond3A_55 = arith.constant 0 : i32
        %cond3A_56 = arith.cmpi ne, %convert_element_type3A_54, %cond3A_55 : i32
        scf.if %cond3A_56 {
          %add3A_57 = arith.constant 2 : i32
          %add3A_58 = arith.addi %add3A_32, %add3A_57 : i32
          %dma_start3A_59 = arith.constant 0 : i32
          %dma_start3A_60 = tpu.memref_slice %arg12[%add3A_58, %dma_start3A_59] : memref<158x128xi32, #tpu.memory_space<vmem>> -> memref<1x128xi32, #tpu.memory_space<vmem>>
          %dma_start3A_61 = tpu.memref_squeeze %dma_start3A_60 : memref<1x128xi32, #tpu.memory_space<vmem>> -> memref<128xi32, #tpu.memory_space<vmem>>
          %dma_start3A_62 = arith.constant 0 : i32
          %dma_start3A_63 = arith.constant 0 : i32
          %dma_start3A_64 = tpu.memref_slice %arg3[%dma_start3A_62, %dma_start3A_63] : memref<5120x128xf32, #tpu.memory_space<hbm>> -> memref<5120x128xf32, #tpu.memory_space<hbm>>
          tpu.enqueue_indirect_dma source(%dma_start3A_64 : memref<5120x128xf32, #tpu.memory_space<hbm>>) target(%arg15 : memref<128x128xf32, #tpu.memory_space<vmem>>) offsets(%dma_start3A_61 : memref<128xi32, #tpu.memory_space<vmem>>) semaphore(%arg17 : memref<!tpu.dma_semaphore, #tpu.memory_space<semaphore_mem>>)
        } else {
        }
      }
      %scan3A_25 = arith.constant 79 : i32
      %barrier3A_26 = arith.constant 0 : index
      tpu.barrier barrier_id(%barrier3A_26)
      "tpu.region"() ({
        %run_scoped3A = tpu.sem_alloc : memref<!tpu.dma_semaphore, #tpu.memory_space<semaphore_mem>>
        %dma_start3A_27 = arith.constant 0 : i32
        %dma_start3A_28 = tpu.memref_slice %arg10[%mul3A_0, %dma_start3A_27] : memref<5120x128xf32, #tpu.memory_space<hbm>> -> memref<320x128xf32, #tpu.memory_space<hbm>>
        %dma_start3A_29 = arith.constant 0 : i32
        %dma_start3A_30 = tpu.memref_slice %arg11[%mul3A_0, %dma_start3A_29] : memref<5120x128xf32, #tpu.memory_space<vmem_shared>> -> memref<320x128xf32, #tpu.memory_space<vmem_shared>>
        tpu.enqueue_dma source(%dma_start3A_30 : memref<320x128xf32, #tpu.memory_space<vmem_shared>>) target(%dma_start3A_28 : memref<320x128xf32, #tpu.memory_space<hbm>>) target_semaphore(%run_scoped3A : memref<!tpu.dma_semaphore, #tpu.memory_space<semaphore_mem>>)
        %dma_wait3A = arith.constant 0 : i32
        %dma_wait3A_31 = tpu.memref_slice %arg10[%mul3A_0, %dma_wait3A] : memref<5120x128xf32, #tpu.memory_space<hbm>> -> memref<320x128xf32, #tpu.memory_space<hbm>>
        %dma_wait3A_32 = arith.constant 0 : i32
        %dma_wait3A_33 = tpu.memref_slice %arg11[%mul3A_0, %dma_wait3A_32] : memref<5120x128xf32, #tpu.memory_space<vmem_shared>> -> memref<320x128xf32, #tpu.memory_space<vmem_shared>>
        tpu.wait_dma2 semaphore(%run_scoped3A : memref<!tpu.dma_semaphore, #tpu.memory_space<semaphore_mem>>) src(%dma_wait3A_33 : memref<320x128xf32, #tpu.memory_space<vmem_shared>>) dst(%dma_wait3A_31 : memref<320x128xf32, #tpu.memory_space<hbm>>)
        tpu.yield
      }) : () -> ()
    } else {
    }
    return
  }
}

module attributes {stable_mosaic.version = 14 : i64} {
  func.func @_sage_body(%arg0: memref<5120x128xf32, #tpu.memory_space<vmem>>, %arg1: memref<5120x128xf32, #tpu.memory_space<vmem>>, %arg2: memref<5120x128xf32, #tpu.memory_space<vmem>>, %arg3: memref<128x128xf32, #tpu.memory_space<vmem>>, %arg4: memref<1x128xf32, #tpu.memory_space<vmem>>, %arg5: memref<128x128xf32, #tpu.memory_space<vmem>>, %arg6: memref<5120x128xf32, #tpu.memory_space<vmem>>, %arg7: memref<5120x128xf32, #tpu.memory_space<vmem>>, %arg8: memref<5120x128xf32, #tpu.memory_space<vmem>>, %arg9: memref<128x128xf32, #tpu.memory_space<vmem>>, %arg10: memref<1x128xf32, #tpu.memory_space<vmem>>, %arg11: memref<128x128xf32, #tpu.memory_space<vmem>>, %arg12: memref<5120x128xf32, #tpu.memory_space<vmem>>, %arg13: memref<5120x128xf32, #tpu.memory_space<vmem>>) attributes {dimension_semantics = [], scalar_prefetch = 0 : i64, scratch_operands = 0 : i64, tpu.core_type = #tpu.core_type<tc>} {
    %get3A = arith.constant 0 : index
    %get3A_0 = arith.constant 0 : index
    %get3A_1 = vector.load %arg0[%get3A, %get3A_0] : memref<5120x128xf32, #tpu.memory_space<vmem>>, vector<5120x128xf32>
    %get3A_2 = arith.constant 0 : index
    %get3A_3 = arith.constant 0 : index
    %get3A_4 = vector.load %arg1[%get3A_2, %get3A_3] : memref<5120x128xf32, #tpu.memory_space<vmem>>, vector<5120x128xf32>
    %slice3A = vector.extract_strided_slice %get3A_4 {offsets = [0, 0], sizes = [5120, 1], strides = [1, 1]} : vector<5120x128xf32> to vector<5120x1xf32>
    %jit3A = arith.constant 1.000000e+00 : f32
    %max3A = vector.broadcast %jit3A : f32 to vector<5120x1xf32>
    %max3A_5 = arith.maximumf %max3A, %slice3A : vector<5120x1xf32>
    %div3A = vector.broadcast %max3A_5 : vector<5120x1xf32> to vector<5120x128xf32>
    %div3A_6 = arith.divf %get3A_1, %div3A : vector<5120x128xf32>
    %get3A_7 = arith.constant 0 : index
    %get3A_8 = arith.constant 0 : index
    %get3A_9 = vector.load %arg3[%get3A_7, %get3A_8] : memref<128x128xf32, #tpu.memory_space<vmem>>, vector<128x128xf32>
    %dot_general3A = arith.constant dense<0.000000e+00> : vector<5120x128xf32>
    %dot_general3A_10 = tpu.matmul %div3A_6, %get3A_9, %dot_general3A {dimension_numbers = #tpu.dot_dimension_numbers<[1], [1], [0], [0], [0, 0, 1, 0], [], []>, transpose_lhs_hint = false} : vector<5120x128xf32>, vector<128x128xf32>, vector<5120x128xf32> -> vector<5120x128xf32>
    %get3A_11 = arith.constant 0 : index
    %get3A_12 = arith.constant 0 : index
    %get3A_13 = vector.load %arg4[%get3A_11, %get3A_12] : memref<1x128xf32, #tpu.memory_space<vmem>>, vector<1x128xf32>
    %add3A = vector.broadcast %get3A_13 : vector<1x128xf32> to vector<5120x128xf32>
    %add3A_14 = arith.addf %dot_general3A_10, %add3A : vector<5120x128xf32>
    %get3A_15 = arith.constant 0 : index
    %get3A_16 = arith.constant 0 : index
    %get3A_17 = vector.load %arg2[%get3A_15, %get3A_16] : memref<5120x128xf32, #tpu.memory_space<vmem>>, vector<5120x128xf32>
    %get3A_18 = arith.constant 0 : index
    %get3A_19 = arith.constant 0 : index
    %get3A_20 = vector.load %arg5[%get3A_18, %get3A_19] : memref<128x128xf32, #tpu.memory_space<vmem>>, vector<128x128xf32>
    %dot_general3A_21 = arith.constant dense<0.000000e+00> : vector<5120x128xf32>
    %dot_general3A_22 = tpu.matmul %get3A_17, %get3A_20, %dot_general3A_21 {dimension_numbers = #tpu.dot_dimension_numbers<[1], [1], [0], [0], [0, 0, 1, 0], [], []>, transpose_lhs_hint = false} : vector<5120x128xf32>, vector<128x128xf32>, vector<5120x128xf32> -> vector<5120x128xf32>
    %add3A_23 = arith.addf %add3A_14, %dot_general3A_22 : vector<5120x128xf32>
    %max3A_24 = arith.constant 0.000000e+00 : f32
    %max3A_25 = vector.broadcast %max3A_24 : f32 to vector<5120x128xf32>
    %max3A_26 = arith.maximumf %add3A_23, %max3A_25 : vector<5120x128xf32>
    %swap3A = arith.constant 0 : index
    %swap3A_27 = arith.constant 0 : index
    %swap3A_28 = vector.load %arg12[%swap3A, %swap3A_27] : memref<5120x128xf32, #tpu.memory_space<vmem>>, vector<5120x128xf32>
    tpu.vector_store %arg12[%swap3A, %swap3A_27], %max3A_26 {strides = array<i32>} : memref<5120x128xf32, #tpu.memory_space<vmem>>, vector<5120x128xf32>,
    %get3A_29 = arith.constant 0 : index
    %get3A_30 = arith.constant 0 : index
    %get3A_31 = vector.load %arg6[%get3A_29, %get3A_30] : memref<5120x128xf32, #tpu.memory_space<vmem>>, vector<5120x128xf32>
    %get3A_32 = arith.constant 0 : index
    %get3A_33 = arith.constant 0 : index
    %get3A_34 = vector.load %arg7[%get3A_32, %get3A_33] : memref<5120x128xf32, #tpu.memory_space<vmem>>, vector<5120x128xf32>
    %slice3A_35 = vector.extract_strided_slice %get3A_34 {offsets = [0, 0], sizes = [5120, 1], strides = [1, 1]} : vector<5120x128xf32> to vector<5120x1xf32>
    %jit3A_36 = arith.constant 1.000000e+00 : f32
    %max3A_37 = vector.broadcast %jit3A_36 : f32 to vector<5120x1xf32>
    %max3A_38 = arith.maximumf %max3A_37, %slice3A_35 : vector<5120x1xf32>
    %div3A_39 = vector.broadcast %max3A_38 : vector<5120x1xf32> to vector<5120x128xf32>
    %div3A_40 = arith.divf %get3A_31, %div3A_39 : vector<5120x128xf32>
    %get3A_41 = arith.constant 0 : index
    %get3A_42 = arith.constant 0 : index
    %get3A_43 = vector.load %arg9[%get3A_41, %get3A_42] : memref<128x128xf32, #tpu.memory_space<vmem>>, vector<128x128xf32>
    %dot_general3A_44 = arith.constant dense<0.000000e+00> : vector<5120x128xf32>
    %dot_general3A_45 = tpu.matmul %div3A_40, %get3A_43, %dot_general3A_44 {dimension_numbers = #tpu.dot_dimension_numbers<[1], [1], [0], [0], [0, 0, 1, 0], [], []>, transpose_lhs_hint = false} : vector<5120x128xf32>, vector<128x128xf32>, vector<5120x128xf32> -> vector<5120x128xf32>
    %get3A_46 = arith.constant 0 : index
    %get3A_47 = arith.constant 0 : index
    %get3A_48 = vector.load %arg10[%get3A_46, %get3A_47] : memref<1x128xf32, #tpu.memory_space<vmem>>, vector<1x128xf32>
    %add3A_49 = vector.broadcast %get3A_48 : vector<1x128xf32> to vector<5120x128xf32>
    %add3A_50 = arith.addf %dot_general3A_45, %add3A_49 : vector<5120x128xf32>
    %get3A_51 = arith.constant 0 : index
    %get3A_52 = arith.constant 0 : index
    %get3A_53 = vector.load %arg8[%get3A_51, %get3A_52] : memref<5120x128xf32, #tpu.memory_space<vmem>>, vector<5120x128xf32>
    %get3A_54 = arith.constant 0 : index
    %get3A_55 = arith.constant 0 : index
    %get3A_56 = vector.load %arg11[%get3A_54, %get3A_55] : memref<128x128xf32, #tpu.memory_space<vmem>>, vector<128x128xf32>
    %dot_general3A_57 = arith.constant dense<0.000000e+00> : vector<5120x128xf32>
    %dot_general3A_58 = tpu.matmul %get3A_53, %get3A_56, %dot_general3A_57 {dimension_numbers = #tpu.dot_dimension_numbers<[1], [1], [0], [0], [0, 0, 1, 0], [], []>, transpose_lhs_hint = false} : vector<5120x128xf32>, vector<128x128xf32>, vector<5120x128xf32> -> vector<5120x128xf32>
    %add3A_59 = arith.addf %add3A_50, %dot_general3A_58 : vector<5120x128xf32>
    %max3A_60 = arith.constant 0.000000e+00 : f32
    %max3A_61 = vector.broadcast %max3A_60 : f32 to vector<5120x128xf32>
    %max3A_62 = arith.maximumf %add3A_59, %max3A_61 : vector<5120x128xf32>
    %swap3A_63 = arith.constant 0 : index
    %swap3A_64 = arith.constant 0 : index
    %swap3A_65 = vector.load %arg13[%swap3A_63, %swap3A_64] : memref<5120x128xf32, #tpu.memory_space<vmem>>, vector<5120x128xf32>
    tpu.vector_store %arg13[%swap3A_63, %swap3A_64], %max3A_62 {strides = array<i32>} : memref<5120x128xf32, #tpu.memory_space<vmem>>, vector<5120x128xf32>,
    return
  }
}

module attributes {stable_mosaic.version = 14 : i64} {
  func.func @_sage_body(%arg0: memref<5120x128xf32, #tpu.memory_space<vmem>>, %arg1: memref<5120x128xf32, #tpu.memory_space<vmem>>, %arg2: memref<5120x128xf32, #tpu.memory_space<vmem>>, %arg3: memref<128x128xf32, #tpu.memory_space<vmem>>, %arg4: memref<1x128xf32, #tpu.memory_space<vmem>>, %arg5: memref<128x128xf32, #tpu.memory_space<vmem>>, %arg6: memref<5120x128xf32, #tpu.memory_space<vmem>>, %arg7: memref<5120x128xf32, #tpu.memory_space<vmem>>, %arg8: memref<5120x128xf32, #tpu.memory_space<vmem>>, %arg9: memref<128x128xf32, #tpu.memory_space<vmem>>, %arg10: memref<1x128xf32, #tpu.memory_space<vmem>>, %arg11: memref<128x128xf32, #tpu.memory_space<vmem>>, %arg12: memref<5120x128xf32, #tpu.memory_space<vmem>>, %arg13: memref<5120x128xf32, #tpu.memory_space<vmem>>) attributes {dimension_semantics = [], scalar_prefetch = 0 : i64, scratch_operands = 0 : i64, tpu.core_type = #tpu.core_type<tc>} {
    %get3A = arith.constant 0 : index
    %get3A_0 = arith.constant 0 : index
    %get3A_1 = vector.load %arg0[%get3A, %get3A_0] : memref<5120x128xf32, #tpu.memory_space<vmem>>, vector<5120x128xf32>
    %get3A_2 = arith.constant 0 : index
    %get3A_3 = arith.constant 0 : index
    %get3A_4 = vector.load %arg1[%get3A_2, %get3A_3] : memref<5120x128xf32, #tpu.memory_space<vmem>>, vector<5120x128xf32>
    %slice3A = vector.extract_strided_slice %get3A_4 {offsets = [0, 0], sizes = [5120, 1], strides = [1, 1]} : vector<5120x128xf32> to vector<5120x1xf32>
    %jit3A = arith.constant 1.000000e+00 : f32
    %max3A = vector.broadcast %jit3A : f32 to vector<5120x1xf32>
    %max3A_5 = arith.maximumf %max3A, %slice3A : vector<5120x1xf32>
    %div3A = vector.broadcast %max3A_5 : vector<5120x1xf32> to vector<5120x128xf32>
    %div3A_6 = arith.divf %get3A_1, %div3A : vector<5120x128xf32>
    %get3A_7 = arith.constant 0 : index
    %get3A_8 = arith.constant 0 : index
    %get3A_9 = vector.load %arg3[%get3A_7, %get3A_8] : memref<128x128xf32, #tpu.memory_space<vmem>>, vector<128x128xf32>
    %dot_general3A = arith.constant dense<0.000000e+00> : vector<5120x128xf32>
    %dot_general3A_10 = tpu.matmul %div3A_6, %get3A_9, %dot_general3A {dimension_numbers = #tpu.dot_dimension_numbers<[1], [1], [0], [0], [0, 0, 1, 0], [], []>, transpose_lhs_hint = false} : vector<5120x128xf32>, vector<128x128xf32>, vector<5120x128xf32> -> vector<5120x128xf32>
    %get3A_11 = arith.constant 0 : index
    %get3A_12 = arith.constant 0 : index
    %get3A_13 = vector.load %arg4[%get3A_11, %get3A_12] : memref<1x128xf32, #tpu.memory_space<vmem>>, vector<1x128xf32>
    %add3A = vector.broadcast %get3A_13 : vector<1x128xf32> to vector<5120x128xf32>
    %add3A_14 = arith.addf %dot_general3A_10, %add3A : vector<5120x128xf32>
    %get3A_15 = arith.constant 0 : index
    %get3A_16 = arith.constant 0 : index
    %get3A_17 = vector.load %arg2[%get3A_15, %get3A_16] : memref<5120x128xf32, #tpu.memory_space<vmem>>, vector<5120x128xf32>
    %get3A_18 = arith.constant 0 : index
    %get3A_19 = arith.constant 0 : index
    %get3A_20 = vector.load %arg5[%get3A_18, %get3A_19] : memref<128x128xf32, #tpu.memory_space<vmem>>, vector<128x128xf32>
    %dot_general3A_21 = arith.constant dense<0.000000e+00> : vector<5120x128xf32>
    %dot_general3A_22 = tpu.matmul %get3A_17, %get3A_20, %dot_general3A_21 {dimension_numbers = #tpu.dot_dimension_numbers<[1], [1], [0], [0], [0, 0, 1, 0], [], []>, transpose_lhs_hint = false} : vector<5120x128xf32>, vector<128x128xf32>, vector<5120x128xf32> -> vector<5120x128xf32>
    %add3A_23 = arith.addf %add3A_14, %dot_general3A_22 : vector<5120x128xf32>
    %mul3A = arith.mulf %add3A_23, %add3A_23 : vector<5120x128xf32>
    %reduce_sum3A = arith.constant dense<0.000000e+00> : vector<5120xf32>
    %reduce_sum3A_24 = vector.multi_reduction <add>, %mul3A, %reduce_sum3A [1] : vector<5120x128xf32> to vector<5120xf32>
    %broadcast_in_dim3A = vector.shape_cast %reduce_sum3A_24 : vector<5120xf32> to vector<5120x1xf32>
    %sqrt3A = math.sqrt %broadcast_in_dim3A : vector<5120x1xf32>
    %jit3A_25 = arith.constant 9.99999993E-9 : f32
    %max3A_26 = vector.broadcast %jit3A_25 : f32 to vector<5120x1xf32>
    %max3A_27 = arith.maximumf %max3A_26, %sqrt3A : vector<5120x1xf32>
    %div3A_28 = vector.broadcast %max3A_27 : vector<5120x1xf32> to vector<5120x128xf32>
    %div3A_29 = arith.divf %add3A_23, %div3A_28 : vector<5120x128xf32>
    %swap3A = arith.constant 0 : index
    %swap3A_30 = arith.constant 0 : index
    %swap3A_31 = vector.load %arg12[%swap3A, %swap3A_30] : memref<5120x128xf32, #tpu.memory_space<vmem>>, vector<5120x128xf32>
    tpu.vector_store %arg12[%swap3A, %swap3A_30], %div3A_29 {strides = array<i32>} : memref<5120x128xf32, #tpu.memory_space<vmem>>, vector<5120x128xf32>,
    %get3A_32 = arith.constant 0 : index
    %get3A_33 = arith.constant 0 : index
    %get3A_34 = vector.load %arg6[%get3A_32, %get3A_33] : memref<5120x128xf32, #tpu.memory_space<vmem>>, vector<5120x128xf32>
    %get3A_35 = arith.constant 0 : index
    %get3A_36 = arith.constant 0 : index
    %get3A_37 = vector.load %arg7[%get3A_35, %get3A_36] : memref<5120x128xf32, #tpu.memory_space<vmem>>, vector<5120x128xf32>
    %slice3A_38 = vector.extract_strided_slice %get3A_37 {offsets = [0, 0], sizes = [5120, 1], strides = [1, 1]} : vector<5120x128xf32> to vector<5120x1xf32>
    %jit3A_39 = arith.constant 1.000000e+00 : f32
    %max3A_40 = vector.broadcast %jit3A_39 : f32 to vector<5120x1xf32>
    %max3A_41 = arith.maximumf %max3A_40, %slice3A_38 : vector<5120x1xf32>
    %div3A_42 = vector.broadcast %max3A_41 : vector<5120x1xf32> to vector<5120x128xf32>
    %div3A_43 = arith.divf %get3A_34, %div3A_42 : vector<5120x128xf32>
    %get3A_44 = arith.constant 0 : index
    %get3A_45 = arith.constant 0 : index
    %get3A_46 = vector.load %arg9[%get3A_44, %get3A_45] : memref<128x128xf32, #tpu.memory_space<vmem>>, vector<128x128xf32>
    %dot_general3A_47 = arith.constant dense<0.000000e+00> : vector<5120x128xf32>
    %dot_general3A_48 = tpu.matmul %div3A_43, %get3A_46, %dot_general3A_47 {dimension_numbers = #tpu.dot_dimension_numbers<[1], [1], [0], [0], [0, 0, 1, 0], [], []>, transpose_lhs_hint = false} : vector<5120x128xf32>, vector<128x128xf32>, vector<5120x128xf32> -> vector<5120x128xf32>
    %get3A_49 = arith.constant 0 : index
    %get3A_50 = arith.constant 0 : index
    %get3A_51 = vector.load %arg10[%get3A_49, %get3A_50] : memref<1x128xf32, #tpu.memory_space<vmem>>, vector<1x128xf32>
    %add3A_52 = vector.broadcast %get3A_51 : vector<1x128xf32> to vector<5120x128xf32>
    %add3A_53 = arith.addf %dot_general3A_48, %add3A_52 : vector<5120x128xf32>
    %get3A_54 = arith.constant 0 : index
    %get3A_55 = arith.constant 0 : index
    %get3A_56 = vector.load %arg8[%get3A_54, %get3A_55] : memref<5120x128xf32, #tpu.memory_space<vmem>>, vector<5120x128xf32>
    %get3A_57 = arith.constant 0 : index
    %get3A_58 = arith.constant 0 : index
    %get3A_59 = vector.load %arg11[%get3A_57, %get3A_58] : memref<128x128xf32, #tpu.memory_space<vmem>>, vector<128x128xf32>
    %dot_general3A_60 = arith.constant dense<0.000000e+00> : vector<5120x128xf32>
    %dot_general3A_61 = tpu.matmul %get3A_56, %get3A_59, %dot_general3A_60 {dimension_numbers = #tpu.dot_dimension_numbers<[1], [1], [0], [0], [0, 0, 1, 0], [], []>, transpose_lhs_hint = false} : vector<5120x128xf32>, vector<128x128xf32>, vector<5120x128xf32> -> vector<5120x128xf32>
    %add3A_62 = arith.addf %add3A_53, %dot_general3A_61 : vector<5120x128xf32>
    %mul3A_63 = arith.mulf %add3A_62, %add3A_62 : vector<5120x128xf32>
    %reduce_sum3A_64 = arith.constant dense<0.000000e+00> : vector<5120xf32>
    %reduce_sum3A_65 = vector.multi_reduction <add>, %mul3A_63, %reduce_sum3A_64 [1] : vector<5120x128xf32> to vector<5120xf32>
    %broadcast_in_dim3A_66 = vector.shape_cast %reduce_sum3A_65 : vector<5120xf32> to vector<5120x1xf32>
    %sqrt3A_67 = math.sqrt %broadcast_in_dim3A_66 : vector<5120x1xf32>
    %jit3A_68 = arith.constant 9.99999993E-9 : f32
    %max3A_69 = vector.broadcast %jit3A_68 : f32 to vector<5120x1xf32>
    %max3A_70 = arith.maximumf %max3A_69, %sqrt3A_67 : vector<5120x1xf32>
    %div3A_71 = vector.broadcast %max3A_70 : vector<5120x1xf32> to vector<5120x128xf32>
    %div3A_72 = arith.divf %add3A_62, %div3A_71 : vector<5120x128xf32>
    %swap3A_73 = arith.constant 0 : index
    %swap3A_74 = arith.constant 0 : index
    %swap3A_75 = vector.load %arg13[%swap3A_73, %swap3A_74] : memref<5120x128xf32, #tpu.memory_space<vmem>>, vector<5120x128xf32>
    tpu.vector_store %arg13[%swap3A_73, %swap3A_74], %div3A_72 {strides = array<i32>} : memref<5120x128xf32, #tpu.memory_space<vmem>>, vector<5120x128xf32>,
    return
  }
}

module attributes {stable_mosaic.version = 14 : i64} {
  func.func @_dot_body(%arg0: i32, %arg1: memref<8192x128xf32, #tpu.memory_space<vmem>>, %arg2: memref<8192x128xf32, #tpu.memory_space<vmem>>, %arg3: memref<8192xf32, #tpu.memory_space<vmem>>) attributes {dimension_semantics = [#tpu.dimension_semantics<arbitrary>], iteration_bounds = array<i64: 8>, scalar_prefetch = 0 : i64, scratch_operands = 0 : i64, tpu.core_type = #tpu.core_type<tc>, window_params = [{transform_indices = @transform_0, window_bounds = array<i64: 8192, 128>}, {transform_indices = @transform_1, window_bounds = array<i64: 8192, 128>}, {transform_indices = @transform_2, window_bounds = array<i64: 8192>}]} {
    %get3A = arith.constant 0 : index
    %get3A_0 = arith.constant 0 : index
    %get3A_1 = vector.load %arg1[%get3A, %get3A_0] : memref<8192x128xf32, #tpu.memory_space<vmem>>, vector<8192x128xf32>
    %get3A_2 = arith.constant 0 : index
    %get3A_3 = arith.constant 0 : index
    %get3A_4 = vector.load %arg2[%get3A_2, %get3A_3] : memref<8192x128xf32, #tpu.memory_space<vmem>>, vector<8192x128xf32>
    %mul3A = arith.mulf %get3A_1, %get3A_4 : vector<8192x128xf32>
    %reduce_sum3A = arith.constant dense<0.000000e+00> : vector<8192xf32>
    %reduce_sum3A_5 = vector.multi_reduction <add>, %mul3A, %reduce_sum3A [1] : vector<8192x128xf32> to vector<8192xf32>
    %swap3A = arith.constant 0 : index
    %swap3A_6 = vector.load %arg3[%swap3A] : memref<8192xf32, #tpu.memory_space<vmem>>, vector<8192xf32>
    tpu.vector_store %arg3[%swap3A], %reduce_sum3A_5 {strides = array<i32>} : memref<8192xf32, #tpu.memory_space<vmem>>, vector<8192xf32>,
    return
  }
  func.func @transform_0(%arg0: i32) -> (i32, i32) {
    %c0_i32 = arith.constant 0 : i32
    %c0_i32_0 = arith.constant 0 : i32
    return %arg0, %c0_i32 : i32, i32
  }
  func.func @transform_1(%arg0: i32) -> (i32, i32) {
    %c0_i32 = arith.constant 0 : i32
    %c0_i32_0 = arith.constant 0 : i32
    return %arg0, %c0_i32 : i32, i32
  }
  func.func @transform_2(%arg0: i32) -> i32 {
    %c0_i32 = arith.constant 0 : i32
    return %arg0 : i32
  }
}

</mosaic_0001>

<sc_bundles>
// kernel: kernel.11.cloned.1.call-start
scs
__scs_entry_jumppad:
0x0: {  	(pc) =	sbr.rel $0x88, $3  }
0x1: {  	(tag) =	ssettag $0x0;
	lr =	simm.s32 $0x1  }
0x2: {  	[smem:$0x3F90] =	sst lr;
	_ =	strace $0xD0000000  }
0x3: {  	_ = 	snop  }
0x4: {  	_ = 	snop  }
0x5: {  	_ = 	snop  }
0x6: {  	_ = 	snop  }
0x7: {  	_ = 	snop  }
__scs_overlays_trampoline_lowered:
0x8: {  	[smem:$0x3F9F] =	sst s0  }
0x9: {  	[smem:$0x3FA0] =	sst s1  }
0xa: {  	[smem:$0x3FA1] =	sst s2  }
0xb: {  	[smem:$0x3FA2] =	sst s3  }
0xc: {  	[smem:$0x3FA3] =	sst s4  }
0xd: {  	[smem:$0x3FA4] =	sst s5  }
0xe: {  	[smem:$0x3FA5] =	sst s6  }
0xf: {  	[smem:$0x3FA6] =	sst s7  }
0x10: {  	[smem:$0x3FA7] =	sst s8  }
0x11: {  	[smem:$0x3FA8] =	sst s9;
	s0 =	simm.s32 @!p0 $0x0  }
0x12: {  	s1 =	sld [smem:$0x3F8E];
	s0 =	simm.s32 @p0 $0x1  }
0x13: {  	[smem:$0x3FA9] =	sst s0;
	s0 =	simm.s32 @!p1 $0x0  }
0x14: {  	s2 =	sld [smem:$0x3F8D];
	s0 =	simm.s32 @p1 $0x1  }
0x15: {  	[smem:$0x3FAA] =	sst s0;
	s0 =	simm.s32 @!p2 $0x0  }
0x16: {  	s3 =	sld [smem:$0x3FDB];
	s0 =	simm.s32 @p2 $0x1  }
0x17: {  	s4 =	simm.s32 $0x1BF5;
	[smem:$0x3FAC] =	sst s0  }
0x18: {  	s0 =	sld [smem:$0x3F8F];
	_ =	swait.ge [sflag:s4], $0x0  }
0x19: {  	s7 =	sld [smem:$0x3F90]  }
0x1a: {  	s8 =	sadd.s32 $0xFFFFE003, lr  }
0x1b: {  	s9 =	sadd.s32 $0xFFFFFEF7, lr;
	s5 =	simm.s32 $0xFFFFFFFF;
	p2 =	slt.u32 s8, $0xFFFFF086  }
0x1c: {  	p1 =	slt.u32 s9, $0xF7A;
	s5 =	simm.s32 @!p2 $0x0  }
0x1d: {  	s5 =	simm.s32 @p1 $0x1;
	p0 =	seq.s32 s7, s2  }
0x1e: {  	s7 =	smul.u32 @!p0 $0xF7A, s2;
	p2 =	seq.s32 @!p0 s5, $0x0  }
0x1f: {  	s9 =	smul.u32 $0xF7A, s1;
	s8 =	simm.s32 @!p0 $0x1BF5;
	p2 =	por !p2, p0  }
0x20: {  	[sflag:s8] =	ssyncset.s32 @!p0 $0xFFFFF086;
	s6 =	sadd.s32 @!p0 s3, s7;
	s7 =	simm.s32 @!p0 $0x108  }
0x21: {  	s3 =	sadd.s32 s3, s9;
	s6 =	sadd.s32 @!p0 $0x88, s6;
	s7 =	simm.s32 @p2 $0x1082  }
0x22: {  	[simem:s7], [sflag:s8] =	dma.local @!p0 [hbm:s6], $0xF7A  }
0x23: {  	s9 =	sor.u32 $0xD0000000, s2;
	s6 =	simm.s32 $0x108;
	_ =	swait.ge @!p0 [sflag:s8], $0x0  }
0x24: {  	s3 =	sadd.s32 $0x88, s3;
	s6 =	simm.s32 @!p1 $0x1082;
	[sflag:s4] =	ssyncset.s32 $0xFFFFF086  }
0x25: {  	[simem:s6], [sflag:s4] =	dma.local [hbm:s3], $0xF7A  }
0x26: {  	[smem:$0x3F90] =	sst s1;
	(tag) =	ssettag s2;
	_ =	strace s9  }
0x27: {  	s1 =	sld [smem:$0x3FA0]  }
0x28: {  	s2 =	sld [smem:$0x3FA1]  }
0x29: {  	s4 =	sld [smem:$0x3FA3]  }
0x2a: {  	p0 =	seq.s32 s5, $0x0;
	s5 =	sld [smem:$0x3FA4]  }
0x2b: {  	s6 =	sld [smem:$0x3FA5]  }
0x2c: {  	s7 =	sld [smem:$0x3FA6]  }
0x2d: {  	s3 =	simm.s32 $0x108;
	s8 =	sld [smem:$0x3FA7]  }
0x2e: {  	s3 =	simm.s32 @!p0 $0x1082;
	s9 =	sld [smem:$0x3FA8]  }
0x2f: {  	lr =	sadd.s32 s0, s3;
	s0 =	sld [smem:$0x3F9F]  }
0x30: {  	s3 =	sld [smem:$0x3FA2]  }
0x31: {  	[smem:$0x3FAB] =	sst s10  }
0x32: {  	s10 =	sld [smem:$0x3FA9];
	_ =	sdelay $0x3  }
0x33: {  	p0 =	seq.s32 s10, $0x1;
	s10 =	sld [smem:$0x3FAB];
	_ =	sdelay $0x3  }
0x34: {  	[smem:$0x3FAB] =	sst s10  }
0x35: {  	s10 =	sld [smem:$0x3FAA];
	_ =	sdelay $0x3  }
0x36: {  	p1 =	seq.s32 s10, $0x1;
	s10 =	sld [smem:$0x3FAB];
	_ =	sdelay $0x3  }
0x37: {  	[smem:$0x3FAB] =	sst s10  }
0x38: {  	s10 =	sld [smem:$0x3FAC]  }
0x39: {  	_ = 	snop;
	(pc) =	sbr.ind lr, $3  }
0x3a: {  	_ = 	snop  }
0x3b: {  	_ = 	snop  }
0x3c: {  	p2 =	seq.s32 s10, $0x1;
	s10 =	sld [smem:$0x3FAB]  }
0x3d: {  	_ =	shalt  }
0x3e: {  	_ =	shalt  }
0x3f: {  	_ =	shalt  }
0x40: {  	_ =	shalt  }
0x41: {  	_ =	shalt  }
0x42: {  	_ =	shalt  }
0x43: {  	_ =	shalt  }
0x44: {  	_ =	shalt  }
0x45: {  	_ =	shalt  }
0x46: {  	_ =	shalt  }
0x47: {  	_ =	shalt  }
0x48: {  	_ =	shalt  }
0x49: {  	_ =	shalt  }
0x4a: {  	_ =	shalt  }
0x4b: {  	_ =	shalt  }
0x4c: {  	_ =	shalt  }
0x4d: {  	_ =	shalt  }
0x4e: {  	_ =	shalt  }
0x4f: {  	_ =	shalt  }
0x50: {  	_ =	shalt  }
0x51: {  	_ =	shalt  }
0x52: {  	_ =	shalt  }
0x53: {  	_ =	shalt  }
0x54: {  	_ =	shalt  }
0x55: {  	_ =	shalt  }
0x56: {  	_ =	shalt  }
0x57: {  	_ =	shalt  }
0x58: {  	_ =	shalt  }
0x59: {  	_ =	shalt  }
0x5a: {  	_ =	shalt  }
0x5b: {  	_ =	shalt  }
0x5c: {  	_ =	shalt  }
0x5d: {  	_ =	shalt  }
0x5e: {  	_ =	shalt  }
0x5f: {  	_ =	shalt  }
0x60: {  	_ =	shalt  }
0x61: {  	_ =	shalt  }
0x62: {  	_ =	shalt  }
0x63: {  	_ =	shalt  }
0x64: {  	_ =	shalt  }
0x65: {  	_ =	shalt  }
0x66: {  	_ =	shalt  }
0x67: {  	_ =	shalt  }
0x68: {  	_ =	shalt  }
0x69: {  	_ =	shalt  }
0x6a: {  	_ =	shalt  }
0x6b: {  	_ =	shalt  }
0x6c: {  	_ =	shalt  }
0x6d: {  	_ =	shalt  }
0x6e: {  	_ =	shalt  }
0x6f: {  	_ =	shalt  }
0x70: {  	_ =	shalt  }
0x71: {  	_ =	shalt  }
0x72: {  	_ =	shalt  }
0x73: {  	_ =	shalt  }
0x74: {  	_ =	shalt  }
0x75: {  	_ =	shalt  }
0x76: {  	_ =	shalt  }
0x77: {  	_ =	shalt  }
0x78: {  	_ =	shalt  }
0x79: {  	_ =	shalt  }
0x7a: {  	_ =	shalt  }
0x7b: {  	_ =	shalt  }
0x7c: {  	_ =	shalt  }
0x7d: {  	_ =	shalt  }
0x7e: {  	_ =	shalt  }
0x7f: {  	_ =	shalt  }
0x80: {  	_ =	shalt  }
0x81: {  	_ =	shalt  }
0x82: {  	_ =	shalt  }
0x83: {  	_ =	shalt  }
0x84: {  	_ =	shalt  }
0x85: {  	_ =	shalt  }
0x86: {  	_ =	shalt  }
0x87: {  	_ =	shalt  }
.Lfunc_end0:
.L_simem_size_0:
called_computation.1_lowered:
.L_overlay_start_0:
0x88: {  	s2 =	sld [smem:$0x3FD9]  }
0x89: {  	s3 =	sld [smem:$0x3FFE];
	_ =	sdelay $0x1  }
0x8a: {  	s1 =	srdreg.scid  }
0x8b: {  	s0 =	sand.u32 $0x1, s1  }
0x8c: {  	s16 =	sshll.u32 s0, $0xA;
	s2 =	sadd.s32 s3, s2  }
0x8d: {  	s2 =	sadd.s32 s2, s16  }
0x8e: {  	[smem:$0x3FB7] =	sst s2  }
0x8f: {  	_ = 	snop  }
0x90: {  	(tm) =	ssettm $0x1  }
0x91: {  	s17 =	sld [smem:$0x3FFB];
	_ =	sdelay $0x3  }
0x92: {  	_ =	strace s17  }
0x93: {  	s2 =	sld [smem:$0x3FFC];
	_ =	sdelay $0x3  }
0x94: {  	_ =	strace s2  }
0x95: {  	s2 =	sld [smem:$0x3FFD];
	_ =	sdelay $0x3  }
0x96: {  	_ =	strace s2  }
0x97: {  	_ =	strace $0x8FFFFFFF  }
0x98: {  	s18 =	sld [smem:$0x3FDB];
	_ =	sdelay $0x1  }
0x99: {  	s19 =	simm.s32 $_scs_section_size  }
0x9a: {  	s4 =	simm.s32 $_size__tile_overlayer_lowered;
	s5 =	simm.s32 $_tile_overlayer_lowered  }
0x9b: {  	s22 =	simm.s32 $0x1BFF;
	s21 =	sshll.u32 s5, $0x1;
	s2 =	sadd.s32 s19, s18  }
0x9c: {  	s6 =	simm.s32 $0x0;
	s20 =	sshll.u32 s4, $0x1;
	s4 =	sadd.s32 s21, s2  }
0x9d: {  	[timem:s6], [sflag:s22] =	dma.local [hbm:s4], s20  }
0x9e: {  	_ =	swait.ge [sflag:s22], s20  }
0x9f: {  	s3 =	ssub.s32 $0x0, s20;
	[sflag:s22] =	ssyncset.done $0x0  }
0xa0: {  	[sflag:s22] =	ssyncadd.s32 s3;
	_ =	sdelay $0x1  }
0xa1: {  	s23 =	simm.s32 $0x1B8B  }
0xa2: {  	_ =	swait.ge [sflag:s23], $0x1  }
0xa3: {  	[sflag:s23] =	ssyncset.done $0x0  }
0xa4: {  	s25 =	simm.s32 $0x1B8E;
	s24 =	sld [smem:$0x3FFE];
	[sflag:s23] =	ssyncadd.s32 $0xFFFFFFFF  }
0xa5: {  	s26 =	simm.s32 $execute0_lowered;
	[smem:$0x3FD2] =	sst s25  }
0xa6: {  	s4 =	sshll.u32 s26, $0x1;
	_ =	strace $0x80000049;
	[dreg:$0x1] =	wrdreg $0xFFFFFFFF  }
0xa7: {  	s28 =	simm.s32 $_size_execute0_lowered;
	s2 =	sadd.s32 s2, s4;
	[dreg:$0x0] =	wrdreg $0x0  }
0xa8: {  	s4 =	sshll.u32 s28, $0x1;
	[dreg:$0x2] =	wrdreg s2  }
0xa9: {  	[dreg:$0x3] =	wrdreg s4  }
0xaa: {  	[dreg:$0x4] =	wrdreg $0xC0  }
0xab: {  	_ =	task [dreg:s6], $0x5FFFF  }
0xac: {  	[dreg:$0x1] =	wrdreg $0xFFFFFFFF  }
0xad: {  	[dreg:$0x0] =	wrdreg $0x60  }
0xae: {  	[dreg:$0x2] =	wrdreg s24  }
0xaf: {  	[dreg:$0x3] =	wrdreg $0x0  }
0xb0: {  	[dreg:$0x4] =	wrdreg $0x9  }
0xb1: {  	_ =	task.clear_ibuf [dreg:s6], $0x5FFFF;
	_ =	strace $0x90000049  }
0xb2: {  	s29 =	simm.s32 $0x9;
	_ =	strace $0x8000004B  }
0xb3: {  	_ =	swait.ge [sflag:s29], $0x1  }
0xb4: {  	[sflag:s29] =	ssyncadd.s32 $0xFFFFFFFF  }
0xb5: {  	_ =	strace $0x9000004B  }
0xb6: {  	_ =	sfence  }
0xb7: {  	s30 =	sld [smem:$0x0];
	_ =	sdelay $0x2  }
0xb8: {  	s31 =	sshll.u32 s1, $0xD;
	s1 =	sshrl.u32 s1, $0x2  }
0xb9: {  	s3 =	sand.u32 $0x4000, s31;
	s1 =	sadd.s32 s1, s30  }
0xba: {  	s0 =	sor.u32 s3, s0;
	s1 =	sshll.u32 s1, $0x11  }
0xbb: {  	s0 =	sor.u32 s1, s0  }
0xbc: {  	s0 =	sadd.s32 $0x8F2B, s0  }
0xbd: {  	[sflag:s0] =	ssyncadd.remote.s32 $0x1  }
0xbe: {  	_ =	sfence.sel $0xFFFF  }
0xbf: {  	[dreg:$0x0] =	wrdreg $0xFFFFFFFF;
	(pc) =	sbr.abs _section_cstart, $3  }
0xc0: {  	[dreg:$0x1] =	wrdreg $0xFFFFFFFF  }
0xc1: {  	_ =	task.clear_ibuf [dreg:s6], $0x2FFFF;
	_ =	strace $0x9FFFFFFF  }
0xc2: {  	(tm) =	ssettm $0x7FFFFFFF  }
0xc3: {  	_ =	shalt  }
tec
execute0_lowered:
.L_overlay_start_1:
0x0: {  	(tag) =	ssettag $0x1  }
0x1: {  	s0 =	rddreg [dreg:$0x0]  }
0x2: {  	s2 =	rddreg [dreg:$0x1]  }
0x3: {  	s3 =	simm.s32 $0x0;
	s1 =	stileid.u32;
	s8 =	srdreg.scid  }
0x4: {  	s15 =	simm.s32 $0xA000;
	s17 =	simm.s32 $0x3;
	s18 =	simm.s32 $0xF000  }
0x5: {  	s21 =	simm.s32 $0x80;
	s22 =	simm.s32 $0x14000;
	s23 =	simm.s32 $0xA080  }
0x6: {  	s24 =	simm.s32 $0x18000;
	s25 =	simm.s32 $0x1;
	s26 =	simm.s32 $0x2  }
0x7: {  	s28 =	simm.s32 $0x13E00;
	s29 =	simm.s32 $0x13E80;
	s7 =	smul.u32 $0xA00, s1  }
0x8: {  	[smem:$0x7FF] =	sst s3;
	s4 =	sadd.s32 $0x2CC00, s0;
	s5 =	smul.u32 $0x1400, s1  }
0x9: {  	s6 =	sadd.s32 $0x40C00, s0;
	s9 =	sand.u32 $0x1, s8;
	s12 =	smul.u32 $0x28000, s1  }
0xa: {  	s8 =	sadd.s32 $0x7CC00, s0;
	s16 =	sshll.u32 s1, $0x6;
	_ =	strace $0x8000004A  }
0xb: {  	s10 =	ssub.s32 $0x2, s9;
	p0 =	seq.s32 s9, $0x1;
	s19 =	sor.u32 $0x1C03, s16  }
.Ltmp0:
0xc: {  	s13 =	sadd.s32 s7, s0;
	s11 =	sadd.s32 s5, s0;
	(pc) =	sbr.rel .LBB2_1-.Ltmp0, $4  }
0xd: {  	s7 =	sadd.s32 $0x68C00, s0;
	s31 =	sshrl.u32 s10, $0x1;
	s12 =	sshrl.u32 s12, $0x2  }
0xe: {  	s0 =	ssub.s32 s10, s31;
	s9 =	sadd.s32 $0xEC00, s13;
	s10 =	sadd.s32 $0x4C00, s13  }
0xf: {  	s20 =	sadd.s32 s12, s2;
	s11 =	sadd.s32 $0x54C00, s11;
	s12 =	sadd.s32 $0x22C00, s13  }
0x10: {  	s13 =	sadd.s32 $0x18C00, s13;
	s14 =	smax.u32 s0, $0x1;
	s20 =	sshrl.u32 s20, $0x3  }
.LBB2_7:
0x11: {  	[tilespmem:s24], [sflag:$0x2] =	stream.indirect.gather [hbm4b:s6+s21], $0x80, s0, s21, $0xb8;
	[tilespmem:$0x1C000] =	vst v63  }
0x12: {  	s31 =	smov.u32 s8;
	s30 =	smov.u32 s19  }
.LBB2_8:
0x13: {  	_ =	swait.ge [sflag:s25], $0x4000  }
0x14: {  	[sflag:s25] =	ssyncset.done $0x0  }
0x15: {  	[sflag:s25] =	ssyncadd.s32 $0xFFFFC000  }
0x16: {  	[spmem:s2] =	stream.indirect.scatter.add.f32 [tilespmem:s22], [sflag:$0x3], $0x80, s28, s21, $0xb8;
	[tilespmem:$0x1C000] =	vst v63  }
0x17: {  	_ =	swait.ge [sflag:s17], $0x4000  }
0x18: {  	[sflag:s17] =	ssyncset.done $0x0  }
0x19: {  	[sflag:s17] =	ssyncadd.s32 $0xFFFFC000  }
0x1a: {  	_ =	swait.ge [sflag:s26], $0x4000  }
0x1b: {  	[sflag:s26] =	ssyncset.done $0x0  }
0x1c: {  	[sflag:s26] =	ssyncadd.s32 $0xFFFFC000  }
0x1d: {  	[spmem:s2] =	stream.indirect.scatter.add.f32 [tilespmem:s24], [sflag:$0x3], $0x80, s29, s21, $0xb8;
	[tilespmem:$0x1C000] =	vst v63  }
0x1e: {  	_ =	swait.ge [sflag:s17], $0x4000  }
0x1f: {  	s3 =	sadd.s32 $0x1, s3;
	[sflag:s17] =	ssyncset.done $0x0  }
0x20: {  	p1 =	sne.s32 s3, s14;
	[sflag:s17] =	ssyncadd.s32 $0xFFFFC000  }
.Ltmp1:
0x21: {  	s0 =	sadd.s32 s31, s5;
	[bflag:$0x0] =	sbarrier.arrive $0xFFFF;
	(pc) =	sbr.rel @!p1 .LBB2_9-.Ltmp1, $4  }
0x22: {  	[hbm:s0], [sflag:s30] =	dma.local [spmem:s20], $0x1400  }
0x23: {  	_ =	swait.ge [sflag:s17], $0x1400  }
0x24: {  	[sflag:s17] =	ssyncset.done $0x0  }
0x25: {  	[sflag:s17] =	ssyncadd.s32 $0xFFFFEC00  }
.LBB2_1:
.Ltmp2:
0x26: {  	(pc) =	sbr.rel @!p0 .LBB2_2-.Ltmp2, $2  }
0x27: {  	_ =	sdelay $0x2  }
0x28: {  	s0 =	simm.s32 $0x0  }
0x29: {  	[tilespmem:s15], [sflag:$0x3] =	stream.linear.gather [hbm4b:s12+s0], $0x4F00, $0x38;
	[tilespmem:$0x1C000] =	vst v63  }
0x2a: {  	_ =	swait.ge [sflag:s17], $0x4F00  }
0x2b: {  	[sflag:s17] =	ssyncset.done $0x0  }
0x2c: {  	[sflag:s17] =	ssyncadd.s32 $0xFFFFB100  }
0x2d: {  	[tilespmem:s18], [sflag:$0x3] =	stream.linear.gather [hbm4b:s13+s0], $0x4F00, $0x38;
	[tilespmem:$0x1C000] =	vst v63  }
0x2e: {  	_ =	swait.ge [sflag:s17], $0x4F00  }
0x2f: {  	[sflag:s17] =	ssyncset.done $0x0  }
0x30: {  	[sflag:s17] =	ssyncadd.s32 $0xFFFFB100  }
0x31: {  	[spmem:s20], [sflag:s19] =	dma.local [hbm:s11], $0x1400  }
0x32: {  	_ =	swait.ge [sflag:s17], $0x1400  }
0x33: {  	[sflag:s17] =	ssyncset.done $0x0  }
0x34: {  	[sflag:s17] =	ssyncadd.s32 $0xFFFFEC00  }
0x35: {  	[bflag:$0x0] =	sbarrier.arrive $0xFFFF  }
0x36: {  	[tilespmem:s22], [sflag:$0x1] =	stream.indirect.gather [hbm4b:s6+s21], $0x80, s15, s21, $0xb8;
	[tilespmem:$0x1C000] =	vst v63  }
0x37: {  	_ = 	snop  }
0x38: {  	[tilespmem:s24], [sflag:$0x2] =	stream.indirect.gather [hbm4b:s6+s21], $0x80, s23, s21, $0xb8;
	[tilespmem:$0x1C000] =	vst v63  }
0x39: {  	_ =	swait.ge [sflag:s25], $0x4000  }
0x3a: {  	[sflag:s25] =	ssyncset.done $0x0  }
0x3b: {  	s31 =	simm.s32 $0xF000;
	[sflag:s25] =	ssyncadd.s32 $0xFFFFC000  }
0x3c: {  	[spmem:s2] =	stream.indirect.scatter.add.f32 [tilespmem:s22], [sflag:$0x3], $0x80, s31, s21, $0xb8;
	[tilespmem:$0x1C000] =	vst v63  }
0x3d: {  	_ =	swait.ge [sflag:s17], $0x4000  }
0x3e: {  	[sflag:s17] =	ssyncset.done $0x0  }
0x3f: {  	s1 =	simm.s32 $0xA100;
	[sflag:s17] =	ssyncadd.s32 $0xFFFFC000  }
0x40: {  	[tilespmem:s22], [sflag:$0x1] =	stream.indirect.gather [hbm4b:s6+s21], $0x80, s1, s21, $0xb8;
	[tilespmem:$0x1C000] =	vst v63  }
0x41: {  	_ =	swait.ge [sflag:s26], $0x4000  }
0x42: {  	[sflag:s26] =	ssyncset.done $0x0  }
0x43: {  	s31 =	simm.s32 $0xF080;
	[sflag:s26] =	ssyncadd.s32 $0xFFFFC000  }
0x44: {  	[spmem:s2] =	stream.indirect.scatter.add.f32 [tilespmem:s24], [sflag:$0x3], $0x80, s31, s21, $0xb8;
	[tilespmem:$0x1C000] =	vst v63  }
0x45: {  	_ =	swait.ge [sflag:s17], $0x4000  }
0x46: {  	[sflag:s17] =	ssyncset.done $0x0  }
0x47: {  	s30 =	simm.s32 $0x400;
	s0 =	simm.s32 $0xA180;
	[sflag:s17] =	ssyncadd.s32 $0xFFFFC000  }
.LBB2_6:
0x48: {  	[tilespmem:s24], [sflag:$0x2] =	stream.indirect.gather [hbm4b:s6+s21], $0x80, s0, s21, $0xb8;
	[tilespmem:$0x1C000] =	vst v63  }
0x49: {  	s0 =	smov.u32 s30  }
0x4a: {  	p1 =	sne.s32 s30, $0x13400;
	s30 =	sadd.s32 $0x400, s30;
	_ =	swait.ge [sflag:s25], $0x4000  }
0x4b: {  	s0 =	sshra.s32 s0, $0x2;
	[sflag:s25] =	ssyncset.done $0x0  }
0x4c: {  	s1 =	sadd.s32 $0xF000, s0;
	[sflag:s25] =	ssyncadd.s32 $0xFFFFC000  }
0x4d: {  	[spmem:s2] =	stream.indirect.scatter.add.f32 [tilespmem:s22], [sflag:$0x3], $0x80, s1, s21, $0xb8;
	[tilespmem:$0x1C000] =	vst v63  }
0x4e: {  	_ =	swait.ge [sflag:s17], $0x4000  }
0x4f: {  	[sflag:s17] =	ssyncset.done $0x0  }
0x50: {  	s1 =	sadd.s32 $0xA100, s0;
	[sflag:s17] =	ssyncadd.s32 $0xFFFFC000  }
0x51: {  	[tilespmem:s22], [sflag:$0x1] =	stream.indirect.gather [hbm4b:s6+s21], $0x80, s1, s21, $0xb8;
	[tilespmem:$0x1C000] =	vst v63  }
0x52: {  	_ =	swait.ge [sflag:s26], $0x4000  }
0x53: {  	[sflag:s26] =	ssyncset.done $0x0  }
.Ltmp3:
0x54: {  	s1 =	sadd.s32 $0xF080, s0;
	[sflag:s26] =	ssyncadd.s32 $0xFFFFC000;
	(pc) =	sbr.rel @p1 .LBB2_6-.Ltmp3, $4  }
0x55: {  	[spmem:s2] =	stream.indirect.scatter.add.f32 [tilespmem:s24], [sflag:$0x3], $0x80, s1, s21, $0xb8;
	[tilespmem:$0x1C000] =	vst v63  }
0x56: {  	_ =	swait.ge [sflag:s17], $0x4000  }
0x57: {  	[sflag:s17] =	ssyncset.done $0x0  }
0x58: {  	s0 =	sadd.s32 $0xA180, s0;
	[sflag:s17] =	ssyncadd.s32 $0xFFFFC000  }
.Ltmp4:
0x59: {  	_ = 	snop;
	(pc) =	sbr.rel .LBB2_7-.Ltmp4, $1  }
0x5a: {  	_ =	sdelay $0x3  }
.LBB2_2:
0x5b: {  	[tilespmem:s15], [sflag:$0x3] =	stream.linear.gather [hbm4b:s9+s0], $0x4F00, $0x38;
	[tilespmem:$0x1C000] =	vst v63  }
0x5c: {  	_ =	swait.ge [sflag:s17], $0x4F00  }
0x5d: {  	[sflag:s17] =	ssyncset.done $0x0  }
0x5e: {  	[sflag:s17] =	ssyncadd.s32 $0xFFFFB100  }
0x5f: {  	[tilespmem:s18], [sflag:$0x3] =	stream.linear.gather [hbm4b:s10+s0], $0x4F00, $0x38;
	[tilespmem:$0x1C000] =	vst v63  }
0x60: {  	_ =	swait.ge [sflag:s17], $0x4F00  }
0x61: {  	[sflag:s17] =	ssyncset.done $0x0  }
0x62: {  	s30 =	sor.u32 $0x1C03, s16;
	[sflag:s17] =	ssyncadd.s32 $0xFFFFB100  }
0x63: {  	[spmem:s20], [sflag:s30] =	dma.local [hbm:s11], $0x1400  }
0x64: {  	_ =	swait.ge [sflag:s17], $0x1400  }
0x65: {  	[sflag:s17] =	ssyncset.done $0x0  }
0x66: {  	[sflag:s17] =	ssyncadd.s32 $0xFFFFEC00  }
0x67: {  	[bflag:$0x0] =	sbarrier.arrive $0xFFFF  }
0x68: {  	[tilespmem:s22], [sflag:$0x1] =	stream.indirect.gather [hbm4b:s4+s21], $0x80, s15, s21, $0xb8;
	[tilespmem:$0x1C000] =	vst v63  }
0x69: {  	_ = 	snop  }
0x6a: {  	[tilespmem:s24], [sflag:$0x2] =	stream.indirect.gather [hbm4b:s4+s21], $0x80, s23, s21, $0xb8;
	[tilespmem:$0x1C000] =	vst v63  }
0x6b: {  	_ =	swait.ge [sflag:s25], $0x4000  }
0x6c: {  	[sflag:s25] =	ssyncset.done $0x0  }
0x6d: {  	s1 =	simm.s32 $0xF000;
	[sflag:s25] =	ssyncadd.s32 $0xFFFFC000  }
0x6e: {  	[spmem:s2] =	stream.indirect.scatter.add.f32 [tilespmem:s22], [sflag:$0x3], $0x80, s1, s21, $0xb8;
	[tilespmem:$0x1C000] =	vst v63  }
0x6f: {  	_ =	swait.ge [sflag:s17], $0x4000  }
0x70: {  	[sflag:s17] =	ssyncset.done $0x0  }
0x71: {  	s1 =	simm.s32 $0xA100;
	[sflag:s17] =	ssyncadd.s32 $0xFFFFC000  }
0x72: {  	[tilespmem:s22], [sflag:$0x1] =	stream.indirect.gather [hbm4b:s4+s21], $0x80, s1, s21, $0xb8;
	[tilespmem:$0x1C000] =	vst v63  }
0x73: {  	_ =	swait.ge [sflag:s26], $0x4000  }
0x74: {  	[sflag:s26] =	ssyncset.done $0x0  }
0x75: {  	s1 =	simm.s32 $0xF080;
	[sflag:s26] =	ssyncadd.s32 $0xFFFFC000  }
0x76: {  	[spmem:s2] =	stream.indirect.scatter.add.f32 [tilespmem:s24], [sflag:$0x3], $0x80, s1, s21, $0xb8;
	[tilespmem:$0x1C000] =	vst v63  }
0x77: {  	_ =	swait.ge [sflag:s17], $0x4000  }
0x78: {  	[sflag:s17] =	ssyncset.done $0x0  }
0x79: {  	s31 =	simm.s32 $0x400;
	s0 =	simm.s32 $0xA180;
	[sflag:s17] =	ssyncadd.s32 $0xFFFFC000  }
.LBB2_3:
0x7a: {  	[tilespmem:s24], [sflag:$0x2] =	stream.indirect.gather [hbm4b:s4+s21], $0x80, s0, s21, $0xb8;
	[tilespmem:$0x1C000] =	vst v63  }
0x7b: {  	s0 =	smov.u32 s31  }
0x7c: {  	p1 =	seq.s32 s31, $0x13400;
	s31 =	sadd.s32 $0x400, s31;
	_ =	swait.ge [sflag:s25], $0x4000  }
0x7d: {  	s0 =	sshra.s32 s0, $0x2;
	[sflag:s25] =	ssyncset.done $0x0  }
0x7e: {  	s1 =	sadd.s32 $0xF000, s0;
	[sflag:s25] =	ssyncadd.s32 $0xFFFFC000  }
0x7f: {  	[spmem:s2] =	stream.indirect.scatter.add.f32 [tilespmem:s22], [sflag:$0x3], $0x80, s1, s21, $0xb8;
	[tilespmem:$0x1C000] =	vst v63  }
0x80: {  	_ =	swait.ge [sflag:s17], $0x4000  }
0x81: {  	[sflag:s17] =	ssyncset.done $0x0  }
0x82: {  	s1 =	sadd.s32 $0xA100, s0;
	[sflag:s17] =	ssyncadd.s32 $0xFFFFC000  }
0x83: {  	[tilespmem:s22], [sflag:$0x1] =	stream.indirect.gather [hbm4b:s4+s21], $0x80, s1, s21, $0xb8;
	[tilespmem:$0x1C000] =	vst v63  }
0x84: {  	_ =	swait.ge [sflag:s26], $0x4000  }
0x85: {  	[sflag:s26] =	ssyncset.done $0x0  }
.Ltmp5:
0x86: {  	s1 =	sadd.s32 $0xF080, s0;
	[sflag:s26] =	ssyncadd.s32 $0xFFFFC000;
	(pc) =	sbr.rel @!p1 .LBB2_3-.Ltmp5, $4  }
0x87: {  	[spmem:s2] =	stream.indirect.scatter.add.f32 [tilespmem:s24], [sflag:$0x3], $0x80, s1, s21, $0xb8;
	[tilespmem:$0x1C000] =	vst v63  }
0x88: {  	_ =	swait.ge [sflag:s17], $0x4000  }
0x89: {  	[sflag:s17] =	ssyncset.done $0x0  }
0x8a: {  	s0 =	sadd.s32 $0xA180, s0;
	[sflag:s17] =	ssyncadd.s32 $0xFFFFC000  }
.Ltmp6:
0x8b: {  	(pc) =	sbr.rel .LBB2_8-.Ltmp6, $3  }
0x8c: {  	_ =	sdelay $0x1  }
0x8d: {  	[tilespmem:s24], [sflag:$0x2] =	stream.indirect.gather [hbm4b:s4+s21], $0x80, s0, s21, $0xb8;
	[tilespmem:$0x1C000] =	vst v63  }
0x8e: {  	s31 =	smov.u32 s7  }
.LBB2_9:
0x8f: {  	_ =	sfence.sel $0x180000  }
0x90: {  	[bflag:$0x0] =	sbarrier.arrive $0xFFFF  }
0x91: {  	_ =	strace $0x9000004A  }
0x92: {  	s0 =	stileid.u32;
	[bflag:$0x2] =	sbarrier.arrive $0xFFFF  }
0x93: {  	p0 =	sne.s32 s0, $0x0;
	s0 =	rddreg [dreg:$0x2]  }
0x94: {  	s0 =	sadd.s32 @!p0 $0x100000, s0  }
0x95: {  	[sflag:s0] =	ssyncadd.tile.s32 @!p0 $0x1;
	_ =	shalt  }
.Lfunc_end2:
_tile_overlayer_lowered:
.L_overlay_start_2:
0x96: {  	(tag) =	ssettag $0x2  }
0x97: {  	s0 =	rddreg [dreg:$0x0];
	s2 =	stileid.u32  }
0x98: {  	s1 =	rddreg [dreg:$0x1];
	p0 =	sne.s32 s2, $0x0  }
0x99: {  	s3 =	rddreg [dreg:$0x2];
	[bflag:$0x3] =	sbarrier.arrive $0xFFFF;
	s2 =	simm.s32 @!p0 $0x1C03  }
0x9a: {  	[timem:s3], [sflag:s2] =	dma.local @!p0 [hbm:s0], s1  }
0x9b: {  	s0 =	simm.s32 @!p0 $0x3  }
0x9c: {  	_ =	swait.ge @!p0 [sflag:s0], s1  }
0x9d: {  	s1 =	ssub.s32 @!p0 $0x0, s1;
	[sflag:s0] =	ssyncset.done @!p0 $0x0  }
0x9e: {  	[sflag:s0] =	ssyncadd.s32 @!p0 s1  }
0x9f: {  	[bflag:$0x3] =	sbarrier.arrive $0xFFFF  }
0xa0: {  	_ =	shalt  }

// kernel: kernel.14.cloned.1.call-start
scs
__scs_entry_jumppad:
0x0: {  	(pc) =	sbr.rel $0x88, $3  }
0x1: {  	(tag) =	ssettag $0x0;
	lr =	simm.s32 $0x1  }
0x2: {  	[smem:$0x3F90] =	sst lr;
	_ =	strace $0xD0000000  }
0x3: {  	_ = 	snop  }
0x4: {  	_ = 	snop  }
0x5: {  	_ = 	snop  }
0x6: {  	_ = 	snop  }
0x7: {  	_ = 	snop  }
__scs_overlays_trampoline_lowered:
0x8: {  	[smem:$0x3F9F] =	sst s0  }
0x9: {  	[smem:$0x3FA0] =	sst s1  }
0xa: {  	[smem:$0x3FA1] =	sst s2  }
0xb: {  	[smem:$0x3FA2] =	sst s3  }
0xc: {  	[smem:$0x3FA3] =	sst s4  }
0xd: {  	[smem:$0x3FA4] =	sst s5  }
0xe: {  	[smem:$0x3FA5] =	sst s6  }
0xf: {  	[smem:$0x3FA6] =	sst s7  }
0x10: {  	[smem:$0x3FA7] =	sst s8  }
0x11: {  	[smem:$0x3FA8] =	sst s9;
	s0 =	simm.s32 @!p0 $0x0  }
0x12: {  	s1 =	sld [smem:$0x3F8E];
	s0 =	simm.s32 @p0 $0x1  }
0x13: {  	[smem:$0x3FA9] =	sst s0;
	s0 =	simm.s32 @!p1 $0x0  }
0x14: {  	s2 =	sld [smem:$0x3F8D];
	s0 =	simm.s32 @p1 $0x1  }
0x15: {  	[smem:$0x3FAA] =	sst s0;
	s0 =	simm.s32 @!p2 $0x0  }
0x16: {  	s3 =	sld [smem:$0x3FDB];
	s0 =	simm.s32 @p2 $0x1  }
0x17: {  	s4 =	simm.s32 $0x1BF5;
	[smem:$0x3FAC] =	sst s0  }
0x18: {  	s0 =	sld [smem:$0x3F8F];
	_ =	swait.ge [sflag:s4], $0x0  }
0x19: {  	s7 =	sld [smem:$0x3F90]  }
0x1a: {  	s8 =	sadd.s32 $0xFFFFE003, lr  }
0x1b: {  	s9 =	sadd.s32 $0xFFFFFEF7, lr;
	s5 =	simm.s32 $0xFFFFFFFF;
	p2 =	slt.u32 s8, $0xFFFFF086  }
0x1c: {  	p1 =	slt.u32 s9, $0xF7A;
	s5 =	simm.s32 @!p2 $0x0  }
0x1d: {  	s5 =	simm.s32 @p1 $0x1;
	p0 =	seq.s32 s7, s2  }
0x1e: {  	s7 =	smul.u32 @!p0 $0xF7A, s2;
	p2 =	seq.s32 @!p0 s5, $0x0  }
0x1f: {  	s9 =	smul.u32 $0xF7A, s1;
	s8 =	simm.s32 @!p0 $0x1BF5;
	p2 =	por !p2, p0  }
0x20: {  	[sflag:s8] =	ssyncset.s32 @!p0 $0xFFFFF086;
	s6 =	sadd.s32 @!p0 s3, s7;
	s7 =	simm.s32 @!p0 $0x108  }
0x21: {  	s3 =	sadd.s32 s3, s9;
	s6 =	sadd.s32 @!p0 $0x88, s6;
	s7 =	simm.s32 @p2 $0x1082  }
0x22: {  	[simem:s7], [sflag:s8] =	dma.local @!p0 [hbm:s6], $0xF7A  }
0x23: {  	s9 =	sor.u32 $0xD0000000, s2;
	s6 =	simm.s32 $0x108;
	_ =	swait.ge @!p0 [sflag:s8], $0x0  }
0x24: {  	s3 =	sadd.s32 $0x88, s3;
	s6 =	simm.s32 @!p1 $0x1082;
	[sflag:s4] =	ssyncset.s32 $0xFFFFF086  }
0x25: {  	[simem:s6], [sflag:s4] =	dma.local [hbm:s3], $0xF7A  }
0x26: {  	[smem:$0x3F90] =	sst s1;
	(tag) =	ssettag s2;
	_ =	strace s9  }
0x27: {  	s1 =	sld [smem:$0x3FA0]  }
0x28: {  	s2 =	sld [smem:$0x3FA1]  }
0x29: {  	s4 =	sld [smem:$0x3FA3]  }
0x2a: {  	p0 =	seq.s32 s5, $0x0;
	s5 =	sld [smem:$0x3FA4]  }
0x2b: {  	s6 =	sld [smem:$0x3FA5]  }
0x2c: {  	s7 =	sld [smem:$0x3FA6]  }
0x2d: {  	s3 =	simm.s32 $0x108;
	s8 =	sld [smem:$0x3FA7]  }
0x2e: {  	s3 =	simm.s32 @!p0 $0x1082;
	s9 =	sld [smem:$0x3FA8]  }
0x2f: {  	lr =	sadd.s32 s0, s3;
	s0 =	sld [smem:$0x3F9F]  }
0x30: {  	s3 =	sld [smem:$0x3FA2]  }
0x31: {  	[smem:$0x3FAB] =	sst s10  }
0x32: {  	s10 =	sld [smem:$0x3FA9];
	_ =	sdelay $0x3  }
0x33: {  	p0 =	seq.s32 s10, $0x1;
	s10 =	sld [smem:$0x3FAB];
	_ =	sdelay $0x3  }
0x34: {  	[smem:$0x3FAB] =	sst s10  }
0x35: {  	s10 =	sld [smem:$0x3FAA];
	_ =	sdelay $0x3  }
0x36: {  	p1 =	seq.s32 s10, $0x1;
	s10 =	sld [smem:$0x3FAB];
	_ =	sdelay $0x3  }
0x37: {  	[smem:$0x3FAB] =	sst s10  }
0x38: {  	s10 =	sld [smem:$0x3FAC]  }
0x39: {  	_ = 	snop;
	(pc) =	sbr.ind lr, $3  }
0x3a: {  	_ = 	snop  }
0x3b: {  	_ = 	snop  }
0x3c: {  	p2 =	seq.s32 s10, $0x1;
	s10 =	sld [smem:$0x3FAB]  }
0x3d: {  	_ =	shalt  }
0x3e: {  	_ =	shalt  }
0x3f: {  	_ =	shalt  }
0x40: {  	_ =	shalt  }
0x41: {  	_ =	shalt  }
0x42: {  	_ =	shalt  }
0x43: {  	_ =	shalt  }
0x44: {  	_ =	shalt  }
0x45: {  	_ =	shalt  }
0x46: {  	_ =	shalt  }
0x47: {  	_ =	shalt  }
0x48: {  	_ =	shalt  }
0x49: {  	_ =	shalt  }
0x4a: {  	_ =	shalt  }
0x4b: {  	_ =	shalt  }
0x4c: {  	_ =	shalt  }
0x4d: {  	_ =	shalt  }
0x4e: {  	_ =	shalt  }
0x4f: {  	_ =	shalt  }
0x50: {  	_ =	shalt  }
0x51: {  	_ =	shalt  }
0x52: {  	_ =	shalt  }
0x53: {  	_ =	shalt  }
0x54: {  	_ =	shalt  }
0x55: {  	_ =	shalt  }
0x56: {  	_ =	shalt  }
0x57: {  	_ =	shalt  }
0x58: {  	_ =	shalt  }
0x59: {  	_ =	shalt  }
0x5a: {  	_ =	shalt  }
0x5b: {  	_ =	shalt  }
0x5c: {  	_ =	shalt  }
0x5d: {  	_ =	shalt  }
0x5e: {  	_ =	shalt  }
0x5f: {  	_ =	shalt  }
0x60: {  	_ =	shalt  }
0x61: {  	_ =	shalt  }
0x62: {  	_ =	shalt  }
0x63: {  	_ =	shalt  }
0x64: {  	_ =	shalt  }
0x65: {  	_ =	shalt  }
0x66: {  	_ =	shalt  }
0x67: {  	_ =	shalt  }
0x68: {  	_ =	shalt  }
0x69: {  	_ =	shalt  }
0x6a: {  	_ =	shalt  }
0x6b: {  	_ =	shalt  }
0x6c: {  	_ =	shalt  }
0x6d: {  	_ =	shalt  }
0x6e: {  	_ =	shalt  }
0x6f: {  	_ =	shalt  }
0x70: {  	_ =	shalt  }
0x71: {  	_ =	shalt  }
0x72: {  	_ =	shalt  }
0x73: {  	_ =	shalt  }
0x74: {  	_ =	shalt  }
0x75: {  	_ =	shalt  }
0x76: {  	_ =	shalt  }
0x77: {  	_ =	shalt  }
0x78: {  	_ =	shalt  }
0x79: {  	_ =	shalt  }
0x7a: {  	_ =	shalt  }
0x7b: {  	_ =	shalt  }
0x7c: {  	_ =	shalt  }
0x7d: {  	_ =	shalt  }
0x7e: {  	_ =	shalt  }
0x7f: {  	_ =	shalt  }
0x80: {  	_ =	shalt  }
0x81: {  	_ =	shalt  }
0x82: {  	_ =	shalt  }
0x83: {  	_ =	shalt  }
0x84: {  	_ =	shalt  }
0x85: {  	_ =	shalt  }
0x86: {  	_ =	shalt  }
0x87: {  	_ =	shalt  }
.Lfunc_end0:
.L_simem_size_0:
called_computation.2_lowered:
.L_overlay_start_0:
0x88: {  	s2 =	sld [smem:$0x3FD9]  }
0x89: {  	s3 =	sld [smem:$0x3FFE];
	_ =	sdelay $0x1  }
0x8a: {  	s1 =	srdreg.scid  }
0x8b: {  	s0 =	sand.u32 $0x1, s1  }
0x8c: {  	s17 =	sshll.u32 s0, $0xA;
	s2 =	sadd.s32 s3, s2  }
0x8d: {  	s2 =	sadd.s32 s2, s17  }
0x8e: {  	[smem:$0x3FB7] =	sst s2  }
0x8f: {  	_ = 	snop  }
0x90: {  	s2 =	sld [smem:$0x3FD0];
	(tm) =	ssettm $0x1  }
0x91: {  	s18 =	sld [smem:$0x3FFB];
	_ =	sdelay $0x3  }
0x92: {  	_ =	strace s18  }
0x93: {  	s3 =	sld [smem:$0x3FFC];
	_ =	sdelay $0x3  }
0x94: {  	_ =	strace s3  }
0x95: {  	s3 =	sld [smem:$0x3FFD];
	_ =	sdelay $0x3  }
0x96: {  	_ =	strace s3  }
0x97: {  	_ =	strace $0x8FFFFFFF  }
0x98: {  	s19 =	sld [smem:$0x3FDB];
	_ =	sdelay $0x1  }
0x99: {  	s4 =	simm.s32 $_scs_section_size  }
0x9a: {  	s5 =	simm.s32 $_size__tile_overlayer_lowered;
	s6 =	simm.s32 $_tile_overlayer_lowered  }
0x9b: {  	s22 =	simm.s32 $0x1BFF;
	s21 =	sshll.u32 s6, $0x1;
	s3 =	sadd.s32 s4, s19  }
0x9c: {  	s7 =	simm.s32 $0x0;
	s20 =	sshll.u32 s5, $0x1;
	s5 =	sadd.s32 s21, s3  }
0x9d: {  	[timem:s7], [sflag:s22] =	dma.local [hbm:s5], s20  }
0x9e: {  	_ =	swait.ge [sflag:s22], s20  }
0x9f: {  	s4 =	ssub.s32 $0x0, s20;
	[sflag:s22] =	ssyncset.done $0x0  }
0xa0: {  	[sflag:s22] =	ssyncadd.s32 s4;
	_ =	sdelay $0x1  }
0xa1: {  	s23 =	simm.s32 $0x1B8B  }
0xa2: {  	_ =	swait.ge [sflag:s23], $0x1  }
0xa3: {  	[sflag:s23] =	ssyncset.done $0x0  }
0xa4: {  	s25 =	simm.s32 $0x1B8E;
	s24 =	sld [smem:$0x3FFE];
	[sflag:s23] =	ssyncadd.s32 $0xFFFFFFFF  }
0xa5: {  	s26 =	simm.s32 $execute0_lowered;
	[smem:$0x3FD2] =	sst s25  }
0xa6: {  	s5 =	sshll.u32 s26, $0x1;
	_ =	strace $0x8000004C;
	[dreg:$0x1] =	wrdreg $0xFFFFFFFF  }
0xa7: {  	s28 =	simm.s32 $_size_execute0_lowered;
	s3 =	sadd.s32 s3, s5;
	[dreg:$0x0] =	wrdreg $0x0  }
0xa8: {  	s5 =	sshll.u32 s28, $0x1;
	[dreg:$0x2] =	wrdreg s3  }
0xa9: {  	[dreg:$0x3] =	wrdreg s5  }
0xaa: {  	[dreg:$0x4] =	wrdreg $0xC0  }
0xab: {  	_ =	task [dreg:s7], $0x5FFFF  }
0xac: {  	[dreg:$0x1] =	wrdreg $0xFFFFFFFF  }
0xad: {  	[dreg:$0x0] =	wrdreg $0x60  }
0xae: {  	[dreg:$0x2] =	wrdreg s24  }
0xaf: {  	[dreg:$0x3] =	wrdreg s2  }
0xb0: {  	[dreg:$0x4] =	wrdreg $0x9  }
0xb1: {  	_ =	task.clear_ibuf [dreg:s7], $0x5FFFF;
	_ =	strace $0x9000004C  }
0xb2: {  	s29 =	simm.s32 $0x9;
	_ =	strace $0x8000004E  }
0xb3: {  	_ =	swait.ge [sflag:s29], $0x1  }
0xb4: {  	[sflag:s29] =	ssyncadd.s32 $0xFFFFFFFF  }
0xb5: {  	_ =	strace $0x9000004E  }
0xb6: {  	_ =	sfence  }
0xb7: {  	s30 =	sld [smem:$0x0];
	_ =	sdelay $0x2  }
0xb8: {  	s31 =	sshll.u32 s1, $0xD;
	s1 =	sshrl.u32 s1, $0x2  }
0xb9: {  	s3 =	sand.u32 $0x4000, s31;
	s1 =	sadd.s32 s1, s30  }
0xba: {  	s0 =	sor.u32 s3, s0;
	s1 =	sshll.u32 s1, $0x11  }
0xbb: {  	s0 =	sor.u32 s1, s0  }
0xbc: {  	s0 =	sadd.s32 $0x8F2B, s0  }
0xbd: {  	[sflag:s0] =	ssyncadd.remote.s32 $0x1  }
0xbe: {  	_ =	sfence.sel $0xFFFF  }
0xbf: {  	[dreg:$0x0] =	wrdreg $0xFFFFFFFF;
	(pc) =	sbr.abs _section_cstart, $3  }
0xc0: {  	[dreg:$0x1] =	wrdreg $0xFFFFFFFF  }
0xc1: {  	_ =	task.clear_ibuf [dreg:s7], $0x2FFFF;
	_ =	strace $0x9FFFFFFF  }
0xc2: {  	(tm) =	ssettm $0x7FFFFFFF  }
0xc3: {  	_ =	shalt  }
tec
execute0_lowered:
.L_overlay_start_1:
0x0: {  	(tag) =	ssettag $0x1  }
0x1: {  	s5 =	rddreg [dreg:$0x0]  }
0x2: {  	s8 =	rddreg [dreg:$0x1]  }
0x3: {  	s0 =	rddreg [dreg:$0x2];
	s2 =	simm.s32 $0x0;
	s3 =	srdreg.scid  }
0x4: {  	s1 =	stileid.u32;
	s13 =	simm.s32 $0x4100;
	s14 =	simm.s32 $0x1  }
0x5: {  	s15 =	simm.s32 $0x2;
	s16 =	simm.s32 $0x0;
	[smem:$0x7FF] =	sst s2  }
0x6: {  	s6 =	sand.u32 $0x1, s3;
	s9 =	sshll.u32 s1, $0xB;
	s3 =	sadd.s32 $0x4C00, s5  }
0x7: {  	s4 =	sadd.s32 $0x18C00, s5;
	s11 =	sshll.u32 s1, $0xF;
	s7 =	sshll.u32 s6, $0xF  }
0x8: {  	s30 =	sshll.u32 s6, $0x13;
	s6 =	ssub.s32 $0x2, s6;
	s7 =	sor.u32 s9, s7  }
0x9: {  	_ =	strace $0x8000004D;
	s10 =	sshrl.u32 s6, $0x1;
	s9 =	sshrl.u32 s7, $0x3  }
0xa: {  	s7 =	sadd.s32 s30, s5;
	s31 =	ssub.s32 s6, s10;
	s10 =	simm.s32 $0x3  }
0xb: {  	s12 =	sadd.s32 s9, s5;
	s7 =	sadd.s32 s11, s7;
	s5 =	smax.u32 s31, $0x1  }
0xc: {  	s8 =	sadd.s32 s9, s8;
	s11 =	simm.s32 $0x80;
	s6 =	sadd.s32 $0xBAC00, s7  }
0xd: {  	s7 =	sadd.s32 $0x1BAC00, s7;
	s9 =	sadd.s32 $0xB8C00, s12;
	s12 =	simm.s32 $0x100  }
.LBB2_1:
0xe: {  	s17 =	sadd.s32 $0x0, s9  }
0xf: {  	[tilespmem:s2], [sflag:$0x3] =	stream.linear.gather [hbm4b:s17+s2], $0x80, $0x38;
	[tilespmem:$0x8100] =	vst v63  }
0x10: {  	_ =	swait.ge [sflag:s10], $0x80  }
0x11: {  	[sflag:s10] =	ssyncset.done $0x0  }
0x12: {  	[sflag:s10] =	ssyncadd.s32 $0xFFFFFF80  }
0x13: {  	[tilespmem:s12], [sflag:$0x1] =	stream.indirect.gather [hbm4b:s3+s11], $0x80, s2, s11, $0xb8;
	[tilespmem:$0x8100] =	vst v63  }
0x14: {  	s31 =	sadd.s32 $0x0, s8  }
0x15: {  	[tilespmem:s11], [sflag:$0x3] =	stream.linear.gather [hbm4b:s31+s2], $0x80, $0x38;
	[tilespmem:$0x8100] =	vst v63  }
0x16: {  	_ =	swait.ge [sflag:s10], $0x80  }
0x17: {  	[sflag:s10] =	ssyncset.done $0x0  }
0x18: {  	[sflag:s10] =	ssyncadd.s32 $0xFFFFFF80  }
0x19: {  	[tilespmem:s13], [sflag:$0x2] =	stream.indirect.gather [hbm4b:s4+s11], $0x80, s11, s11, $0xb8;
	[tilespmem:$0x8100] =	vst v63  }
0x1a: {  	_ =	swait.ge [sflag:s14], $0x4000  }
0x1b: {  	[sflag:s14] =	ssyncset.done $0x0  }
0x1c: {  	[sflag:s14] =	ssyncadd.s32 $0xFFFFC000  }
0x1d: {  	[hbm4b:s6+s2] =	stream.linear.scatter [tilespmem:s12], [sflag:$0x3], $0x4000, $0x38;
	[tilespmem:$0x8100] =	vst v63  }
0x1e: {  	_ =	swait.ge [sflag:s10], $0x4000  }
0x1f: {  	[sflag:s10] =	ssyncset.done $0x0  }
0x20: {  	[sflag:s10] =	ssyncadd.s32 $0xFFFFC000  }
0x21: {  	_ =	swait.ge [sflag:s15], $0x4000  }
0x22: {  	[sflag:s15] =	ssyncset.done $0x0  }
0x23: {  	[sflag:s15] =	ssyncadd.s32 $0xFFFFC000  }
0x24: {  	[hbm4b:s7+s2] =	stream.linear.scatter [tilespmem:s13], [sflag:$0x3], $0x4000, $0x38;
	[tilespmem:$0x8100] =	vst v63  }
0x25: {  	s19 =	simm.s32 $0x10;
	s20 =	simm.s32 $0x20;
	_ =	swait.ge [sflag:s10], $0x4000  }
0x26: {  	s18 =	sadd.s32 $0x800, s6;
	s17 =	sadd.s32 $0x800, s7;
	[sflag:s10] =	ssyncset.done $0x0  }
.LBB2_2:
0x27: {  	s21 =	sadd.s32 s19, s9  }
0x28: {  	[sflag:s10] =	ssyncadd.s32 $0xFFFFC000;
	s22 =	smov.u32 s20;
	s23 =	sadd.s32 $0x10, s20  }
0x29: {  	[tilespmem:s2], [sflag:$0x3] =	stream.linear.gather [hbm4b:s21+s2], $0x80, $0x38;
	[tilespmem:$0x8100] =	vst v63  }
0x2a: {  	p0 =	sne.s32 s20, $0xF0;
	_ =	swait.ge [sflag:s10], $0x80  }
0x2b: {  	[sflag:s10] =	ssyncset.done $0x0  }
0x2c: {  	[sflag:s10] =	ssyncadd.s32 $0xFFFFFF80  }
0x2d: {  	[tilespmem:s12], [sflag:$0x1] =	stream.indirect.gather [hbm4b:s3+s11], $0x80, s2, s11, $0xb8;
	[tilespmem:$0x8100] =	vst v63  }
0x2e: {  	s20 =	sadd.s32 s19, s8;
	s19 =	smov.u32 s22  }
0x2f: {  	[tilespmem:s11], [sflag:$0x3] =	stream.linear.gather [hbm4b:s20+s2], $0x80, $0x38;
	[tilespmem:$0x8100] =	vst v63  }
0x30: {  	_ =	swait.ge [sflag:s10], $0x80  }
0x31: {  	[sflag:s10] =	ssyncset.done $0x0  }
0x32: {  	[sflag:s10] =	ssyncadd.s32 $0xFFFFFF80  }
0x33: {  	[tilespmem:s13], [sflag:$0x2] =	stream.indirect.gather [hbm4b:s4+s11], $0x80, s11, s11, $0xb8;
	[tilespmem:$0x8100] =	vst v63  }
0x34: {  	_ =	swait.ge [sflag:s14], $0x4000  }
0x35: {  	[sflag:s14] =	ssyncset.done $0x0  }
0x36: {  	[sflag:s14] =	ssyncadd.s32 $0xFFFFC000  }
0x37: {  	[hbm4b:s18+s2] =	stream.linear.scatter [tilespmem:s12], [sflag:$0x3], $0x4000, $0x38;
	[tilespmem:$0x8100] =	vst v63  }
0x38: {  	_ =	swait.ge [sflag:s10], $0x4000  }
0x39: {  	[sflag:s10] =	ssyncset.done $0x0  }
0x3a: {  	[sflag:s10] =	ssyncadd.s32 $0xFFFFC000  }
0x3b: {  	_ =	swait.ge [sflag:s15], $0x4000  }
.Ltmp0:
0x3c: {  	[sflag:s15] =	ssyncset.done $0x0;
	(pc) =	sbr.rel @p0 .LBB2_2-.Ltmp0, $4  }
0x3d: {  	[sflag:s15] =	ssyncadd.s32 $0xFFFFC000  }
0x3e: {  	[hbm4b:s17+s2] =	stream.linear.scatter [tilespmem:s13], [sflag:$0x3], $0x4000, $0x38;
	[tilespmem:$0x8100] =	vst v63  }
0x3f: {  	s20 =	smov.u32 s23;
	_ =	swait.ge [sflag:s10], $0x4000  }
0x40: {  	s18 =	sadd.s32 $0x800, s18;
	s17 =	sadd.s32 $0x800, s17;
	[sflag:s10] =	ssyncset.done $0x0  }
0x41: {  	s20 =	sadd.s32 s19, s9;
	[sflag:s10] =	ssyncadd.s32 $0xFFFFC000  }
0x42: {  	[tilespmem:s2], [sflag:$0x3] =	stream.linear.gather [hbm4b:s20+s2], $0x80, $0x38;
	[tilespmem:$0x8100] =	vst v63  }
0x43: {  	_ =	swait.ge [sflag:s10], $0x80  }
0x44: {  	[sflag:s10] =	ssyncset.done $0x0  }
0x45: {  	[sflag:s10] =	ssyncadd.s32 $0xFFFFFF80  }
0x46: {  	[tilespmem:s12], [sflag:$0x1] =	stream.indirect.gather [hbm4b:s3+s11], $0x80, s2, s11, $0xb8;
	[tilespmem:$0x8100] =	vst v63  }
0x47: {  	s31 =	sadd.s32 s19, s8  }
0x48: {  	[tilespmem:s11], [sflag:$0x3] =	stream.linear.gather [hbm4b:s31+s2], $0x80, $0x38;
	[tilespmem:$0x8100] =	vst v63  }
0x49: {  	_ =	swait.ge [sflag:s10], $0x80  }
0x4a: {  	[sflag:s10] =	ssyncset.done $0x0  }
0x4b: {  	[sflag:s10] =	ssyncadd.s32 $0xFFFFFF80  }
0x4c: {  	[tilespmem:s13], [sflag:$0x2] =	stream.indirect.gather [hbm4b:s4+s11], $0x80, s11, s11, $0xb8;
	[tilespmem:$0x8100] =	vst v63  }
0x4d: {  	_ =	swait.ge [sflag:s14], $0x4000  }
0x4e: {  	[sflag:s14] =	ssyncset.done $0x0  }
0x4f: {  	[sflag:s14] =	ssyncadd.s32 $0xFFFFC000  }
0x50: {  	[hbm4b:s18+s2] =	stream.linear.scatter [tilespmem:s12], [sflag:$0x3], $0x4000, $0x38;
	[tilespmem:$0x8100] =	vst v63  }
0x51: {  	_ =	swait.ge [sflag:s10], $0x4000  }
0x52: {  	[sflag:s10] =	ssyncset.done $0x0  }
0x53: {  	[sflag:s10] =	ssyncadd.s32 $0xFFFFC000  }
0x54: {  	s16 =	sadd.s32 $0x1, s16;
	_ =	swait.ge [sflag:s15], $0x4000  }
0x55: {  	p0 =	sne.s32 s16, s5;
	[sflag:s15] =	ssyncset.done $0x0  }
.Ltmp1:
0x56: {  	[sflag:s15] =	ssyncadd.s32 $0xFFFFC000;
	(pc) =	sbr.rel @p0 .LBB2_1-.Ltmp1, $4  }
0x57: {  	[hbm4b:s17+s2] =	stream.linear.scatter [tilespmem:s13], [sflag:$0x3], $0x4000, $0x38;
	[tilespmem:$0x8100] =	vst v63  }
0x58: {  	_ =	swait.ge [sflag:s10], $0x4000  }
0x59: {  	[sflag:s10] =	ssyncset.done $0x0  }
0x5a: {  	[sflag:s10] =	ssyncadd.s32 $0xFFFFC000  }
0x5b: {  	_ =	sfence.sel $0x180000  }
0x5c: {  	[bflag:$0x0] =	sbarrier.arrive $0xFFFF  }
0x5d: {  	p0 =	sne.s32 s1, $0x0;
	_ =	strace $0x9000004D  }
0x5e: {  	s0 =	sadd.s32 @!p0 $0x100000, s0;
	[bflag:$0x2] =	sbarrier.arrive $0xFFFF  }
0x5f: {  	[sflag:s0] =	ssyncadd.tile.s32 @!p0 $0x1;
	_ =	shalt  }
.Lfunc_end2:
_tile_overlayer_lowered:
.L_overlay_start_2:
0x60: {  	(tag) =	ssettag $0x2  }
0x61: {  	s0 =	rddreg [dreg:$0x0];
	s2 =	stileid.u32  }
0x62: {  	s1 =	rddreg [dreg:$0x1];
	p0 =	sne.s32 s2, $0x0  }
0x63: {  	s3 =	rddreg [dreg:$0x2];
	[bflag:$0x3] =	sbarrier.arrive $0xFFFF;
	s2 =	simm.s32 @!p0 $0x1C03  }
0x64: {  	[timem:s3], [sflag:s2] =	dma.local @!p0 [hbm:s0], s1  }
0x65: {  	s0 =	simm.s32 @!p0 $0x3  }
0x66: {  	_ =	swait.ge @!p0 [sflag:s0], s1  }
0x67: {  	s1 =	ssub.s32 @!p0 $0x0, s1;
	[sflag:s0] =	ssyncset.done @!p0 $0x0  }
0x68: {  	[sflag:s0] =	ssyncadd.s32 @!p0 s1  }
0x69: {  	[bflag:$0x3] =	sbarrier.arrive $0xFFFF  }
0x6a: {  	_ =	shalt  }

// kernel: kernel.8.cloned.1.call-start
scs
__scs_entry_jumppad:
0x0: {  	(pc) =	sbr.rel $0x88, $3  }
0x1: {  	(tag) =	ssettag $0x0;
	lr =	simm.s32 $0x1  }
0x2: {  	[smem:$0x3F90] =	sst lr;
	_ =	strace $0xD0000000  }
0x3: {  	_ = 	snop  }
0x4: {  	_ = 	snop  }
0x5: {  	_ = 	snop  }
0x6: {  	_ = 	snop  }
0x7: {  	_ = 	snop  }
__scs_overlays_trampoline_lowered:
0x8: {  	[smem:$0x3F9F] =	sst s0  }
0x9: {  	[smem:$0x3FA0] =	sst s1  }
0xa: {  	[smem:$0x3FA1] =	sst s2  }
0xb: {  	[smem:$0x3FA2] =	sst s3  }
0xc: {  	[smem:$0x3FA3] =	sst s4  }
0xd: {  	[smem:$0x3FA4] =	sst s5  }
0xe: {  	[smem:$0x3FA5] =	sst s6  }
0xf: {  	[smem:$0x3FA6] =	sst s7  }
0x10: {  	[smem:$0x3FA7] =	sst s8  }
0x11: {  	[smem:$0x3FA8] =	sst s9;
	s0 =	simm.s32 @!p0 $0x0  }
0x12: {  	s1 =	sld [smem:$0x3F8E];
	s0 =	simm.s32 @p0 $0x1  }
0x13: {  	[smem:$0x3FA9] =	sst s0;
	s0 =	simm.s32 @!p1 $0x0  }
0x14: {  	s2 =	sld [smem:$0x3F8D];
	s0 =	simm.s32 @p1 $0x1  }
0x15: {  	[smem:$0x3FAA] =	sst s0;
	s0 =	simm.s32 @!p2 $0x0  }
0x16: {  	s3 =	sld [smem:$0x3FDB];
	s0 =	simm.s32 @p2 $0x1  }
0x17: {  	s4 =	simm.s32 $0x1BF5;
	[smem:$0x3FAC] =	sst s0  }
0x18: {  	s0 =	sld [smem:$0x3F8F];
	_ =	swait.ge [sflag:s4], $0x0  }
0x19: {  	s7 =	sld [smem:$0x3F90]  }
0x1a: {  	s8 =	sadd.s32 $0xFFFFE003, lr  }
0x1b: {  	s9 =	sadd.s32 $0xFFFFFEF7, lr;
	s5 =	simm.s32 $0xFFFFFFFF;
	p2 =	slt.u32 s8, $0xFFFFF086  }
0x1c: {  	p1 =	slt.u32 s9, $0xF7A;
	s5 =	simm.s32 @!p2 $0x0  }
0x1d: {  	s5 =	simm.s32 @p1 $0x1;
	p0 =	seq.s32 s7, s2  }
0x1e: {  	s7 =	smul.u32 @!p0 $0xF7A, s2;
	p2 =	seq.s32 @!p0 s5, $0x0  }
0x1f: {  	s9 =	smul.u32 $0xF7A, s1;
	s8 =	simm.s32 @!p0 $0x1BF5;
	p2 =	por !p2, p0  }
0x20: {  	[sflag:s8] =	ssyncset.s32 @!p0 $0xFFFFF086;
	s6 =	sadd.s32 @!p0 s3, s7;
	s7 =	simm.s32 @!p0 $0x108  }
0x21: {  	s3 =	sadd.s32 s3, s9;
	s6 =	sadd.s32 @!p0 $0x88, s6;
	s7 =	simm.s32 @p2 $0x1082  }
0x22: {  	[simem:s7], [sflag:s8] =	dma.local @!p0 [hbm:s6], $0xF7A  }
0x23: {  	s9 =	sor.u32 $0xD0000000, s2;
	s6 =	simm.s32 $0x108;
	_ =	swait.ge @!p0 [sflag:s8], $0x0  }
0x24: {  	s3 =	sadd.s32 $0x88, s3;
	s6 =	simm.s32 @!p1 $0x1082;
	[sflag:s4] =	ssyncset.s32 $0xFFFFF086  }
0x25: {  	[simem:s6], [sflag:s4] =	dma.local [hbm:s3], $0xF7A  }
0x26: {  	[smem:$0x3F90] =	sst s1;
	(tag) =	ssettag s2;
	_ =	strace s9  }
0x27: {  	s1 =	sld [smem:$0x3FA0]  }
0x28: {  	s2 =	sld [smem:$0x3FA1]  }
0x29: {  	s4 =	sld [smem:$0x3FA3]  }
0x2a: {  	p0 =	seq.s32 s5, $0x0;
	s5 =	sld [smem:$0x3FA4]  }
0x2b: {  	s6 =	sld [smem:$0x3FA5]  }
0x2c: {  	s7 =	sld [smem:$0x3FA6]  }
0x2d: {  	s3 =	simm.s32 $0x108;
	s8 =	sld [smem:$0x3FA7]  }
0x2e: {  	s3 =	simm.s32 @!p0 $0x1082;
	s9 =	sld [smem:$0x3FA8]  }
0x2f: {  	lr =	sadd.s32 s0, s3;
	s0 =	sld [smem:$0x3F9F]  }
0x30: {  	s3 =	sld [smem:$0x3FA2]  }
0x31: {  	[smem:$0x3FAB] =	sst s10  }
0x32: {  	s10 =	sld [smem:$0x3FA9];
	_ =	sdelay $0x3  }
0x33: {  	p0 =	seq.s32 s10, $0x1;
	s10 =	sld [smem:$0x3FAB];
	_ =	sdelay $0x3  }
0x34: {  	[smem:$0x3FAB] =	sst s10  }
0x35: {  	s10 =	sld [smem:$0x3FAA];
	_ =	sdelay $0x3  }
0x36: {  	p1 =	seq.s32 s10, $0x1;
	s10 =	sld [smem:$0x3FAB];
	_ =	sdelay $0x3  }
0x37: {  	[smem:$0x3FAB] =	sst s10  }
0x38: {  	s10 =	sld [smem:$0x3FAC]  }
0x39: {  	_ = 	snop;
	(pc) =	sbr.ind lr, $3  }
0x3a: {  	_ = 	snop  }
0x3b: {  	_ = 	snop  }
0x3c: {  	p2 =	seq.s32 s10, $0x1;
	s10 =	sld [smem:$0x3FAB]  }
0x3d: {  	_ =	shalt  }
0x3e: {  	_ =	shalt  }
0x3f: {  	_ =	shalt  }
0x40: {  	_ =	shalt  }
0x41: {  	_ =	shalt  }
0x42: {  	_ =	shalt  }
0x43: {  	_ =	shalt  }
0x44: {  	_ =	shalt  }
0x45: {  	_ =	shalt  }
0x46: {  	_ =	shalt  }
0x47: {  	_ =	shalt  }
0x48: {  	_ =	shalt  }
0x49: {  	_ =	shalt  }
0x4a: {  	_ =	shalt  }
0x4b: {  	_ =	shalt  }
0x4c: {  	_ =	shalt  }
0x4d: {  	_ =	shalt  }
0x4e: {  	_ =	shalt  }
0x4f: {  	_ =	shalt  }
0x50: {  	_ =	shalt  }
0x51: {  	_ =	shalt  }
0x52: {  	_ =	shalt  }
0x53: {  	_ =	shalt  }
0x54: {  	_ =	shalt  }
0x55: {  	_ =	shalt  }
0x56: {  	_ =	shalt  }
0x57: {  	_ =	shalt  }
0x58: {  	_ =	shalt  }
0x59: {  	_ =	shalt  }
0x5a: {  	_ =	shalt  }
0x5b: {  	_ =	shalt  }
0x5c: {  	_ =	shalt  }
0x5d: {  	_ =	shalt  }
0x5e: {  	_ =	shalt  }
0x5f: {  	_ =	shalt  }
0x60: {  	_ =	shalt  }
0x61: {  	_ =	shalt  }
0x62: {  	_ =	shalt  }
0x63: {  	_ =	shalt  }
0x64: {  	_ =	shalt  }
0x65: {  	_ =	shalt  }
0x66: {  	_ =	shalt  }
0x67: {  	_ =	shalt  }
0x68: {  	_ =	shalt  }
0x69: {  	_ =	shalt  }
0x6a: {  	_ =	shalt  }
0x6b: {  	_ =	shalt  }
0x6c: {  	_ =	shalt  }
0x6d: {  	_ =	shalt  }
0x6e: {  	_ =	shalt  }
0x6f: {  	_ =	shalt  }
0x70: {  	_ =	shalt  }
0x71: {  	_ =	shalt  }
0x72: {  	_ =	shalt  }
0x73: {  	_ =	shalt  }
0x74: {  	_ =	shalt  }
0x75: {  	_ =	shalt  }
0x76: {  	_ =	shalt  }
0x77: {  	_ =	shalt  }
0x78: {  	_ =	shalt  }
0x79: {  	_ =	shalt  }
0x7a: {  	_ =	shalt  }
0x7b: {  	_ =	shalt  }
0x7c: {  	_ =	shalt  }
0x7d: {  	_ =	shalt  }
0x7e: {  	_ =	shalt  }
0x7f: {  	_ =	shalt  }
0x80: {  	_ =	shalt  }
0x81: {  	_ =	shalt  }
0x82: {  	_ =	shalt  }
0x83: {  	_ =	shalt  }
0x84: {  	_ =	shalt  }
0x85: {  	_ =	shalt  }
0x86: {  	_ =	shalt  }
0x87: {  	_ =	shalt  }
.Lfunc_end0:
.L_simem_size_0:
called_computation_lowered:
.L_overlay_start_0:
0x88: {  	s2 =	sld [smem:$0x3FD9]  }
0x89: {  	s3 =	sld [smem:$0x3FFE];
	_ =	sdelay $0x1  }
0x8a: {  	s1 =	srdreg.scid  }
0x8b: {  	s0 =	sand.u32 $0x1, s1  }
0x8c: {  	s17 =	sshll.u32 s0, $0xA;
	s2 =	sadd.s32 s3, s2  }
0x8d: {  	s2 =	sadd.s32 s2, s17  }
0x8e: {  	[smem:$0x3FB7] =	sst s2  }
0x8f: {  	_ = 	snop  }
0x90: {  	s2 =	sld [smem:$0x3FD0];
	(tm) =	ssettm $0x1  }
0x91: {  	s18 =	sld [smem:$0x3FFB];
	_ =	sdelay $0x3  }
0x92: {  	_ =	strace s18  }
0x93: {  	s3 =	sld [smem:$0x3FFC];
	_ =	sdelay $0x3  }
0x94: {  	_ =	strace s3  }
0x95: {  	s3 =	sld [smem:$0x3FFD];
	_ =	sdelay $0x3  }
0x96: {  	_ =	strace s3  }
0x97: {  	_ =	strace $0x8FFFFFFF  }
0x98: {  	s19 =	sld [smem:$0x3FDB];
	_ =	sdelay $0x1  }
0x99: {  	s4 =	simm.s32 $_scs_section_size  }
0x9a: {  	s5 =	simm.s32 $_size__tile_overlayer_lowered;
	s6 =	simm.s32 $_tile_overlayer_lowered  }
0x9b: {  	s22 =	simm.s32 $0x1BFF;
	s21 =	sshll.u32 s6, $0x1;
	s3 =	sadd.s32 s4, s19  }
0x9c: {  	s7 =	simm.s32 $0x0;
	s20 =	sshll.u32 s5, $0x1;
	s5 =	sadd.s32 s21, s3  }
0x9d: {  	[timem:s7], [sflag:s22] =	dma.local [hbm:s5], s20  }
0x9e: {  	_ =	swait.ge [sflag:s22], s20  }
0x9f: {  	s4 =	ssub.s32 $0x0, s20;
	[sflag:s22] =	ssyncset.done $0x0  }
0xa0: {  	[sflag:s22] =	ssyncadd.s32 s4;
	_ =	sdelay $0x1  }
0xa1: {  	s23 =	simm.s32 $0x1B8B  }
0xa2: {  	_ =	swait.ge [sflag:s23], $0x1  }
0xa3: {  	[sflag:s23] =	ssyncset.done $0x0  }
0xa4: {  	s25 =	simm.s32 $0x1B8E;
	s24 =	sld [smem:$0x3FFE];
	[sflag:s23] =	ssyncadd.s32 $0xFFFFFFFF  }
0xa5: {  	s26 =	simm.s32 $execute0_lowered;
	[smem:$0x3FD2] =	sst s25  }
0xa6: {  	s5 =	sshll.u32 s26, $0x1;
	_ =	strace $0x80000046;
	[dreg:$0x1] =	wrdreg $0xFFFFFFFF  }
0xa7: {  	s28 =	simm.s32 $_size_execute0_lowered;
	s3 =	sadd.s32 s3, s5;
	[dreg:$0x0] =	wrdreg $0x0  }
0xa8: {  	s5 =	sshll.u32 s28, $0x1;
	[dreg:$0x2] =	wrdreg s3  }
0xa9: {  	[dreg:$0x3] =	wrdreg s5  }
0xaa: {  	[dreg:$0x4] =	wrdreg $0xC0  }
0xab: {  	_ =	task [dreg:s7], $0x5FFFF  }
0xac: {  	[dreg:$0x1] =	wrdreg $0xFFFFFFFF  }
0xad: {  	[dreg:$0x0] =	wrdreg $0x60  }
0xae: {  	[dreg:$0x2] =	wrdreg s24  }
0xaf: {  	[dreg:$0x3] =	wrdreg s2  }
0xb0: {  	[dreg:$0x4] =	wrdreg $0x0  }
0xb1: {  	[dreg:$0x5] =	wrdreg $0x9  }
0xb2: {  	_ =	task.clear_ibuf [dreg:s7], $0x6FFFF;
	_ =	strace $0x90000046  }
0xb3: {  	s29 =	simm.s32 $0x9;
	_ =	strace $0x80000048  }
0xb4: {  	_ =	swait.ge [sflag:s29], $0x1  }
0xb5: {  	[sflag:s29] =	ssyncadd.s32 $0xFFFFFFFF  }
0xb6: {  	_ =	strace $0x90000048  }
0xb7: {  	_ =	sfence  }
0xb8: {  	s30 =	sld [smem:$0x0];
	_ =	sdelay $0x2  }
0xb9: {  	s31 =	sshll.u32 s1, $0xD;
	s1 =	sshrl.u32 s1, $0x2  }
0xba: {  	s3 =	sand.u32 $0x4000, s31;
	s1 =	sadd.s32 s1, s30  }
0xbb: {  	s0 =	sor.u32 s3, s0;
	s1 =	sshll.u32 s1, $0x11  }
0xbc: {  	s0 =	sor.u32 s1, s0  }
0xbd: {  	s0 =	sadd.s32 $0x8F2B, s0  }
0xbe: {  	[sflag:s0] =	ssyncadd.remote.s32 $0x1  }
0xbf: {  	_ =	sfence.sel $0xFFFF  }
0xc0: {  	[dreg:$0x0] =	wrdreg $0xFFFFFFFF;
	(pc) =	sbr.abs _section_cstart, $3  }
0xc1: {  	[dreg:$0x1] =	wrdreg $0xFFFFFFFF  }
0xc2: {  	_ =	task.clear_ibuf [dreg:s7], $0x2FFFF;
	_ =	strace $0x9FFFFFFF  }
0xc3: {  	(tm) =	ssettm $0x7FFFFFFF  }
tec
execute0_lowered:
.L_overlay_start_1:
0x0: {  	(tag) =	ssettag $0x1  }
0x1: {  	s0 =	rddreg [dreg:$0x0]  }
0x2: {  	s3 =	rddreg [dreg:$0x2]  }
0x3: {  	s4 =	simm.s32 $0x0;
	s20 =	stileid.u32;
	s2 =	srdreg.scid  }
0x4: {  	s18 =	simm.s32 $0xA000;
	s19 =	simm.s32 $0x3;
	s21 =	simm.s32 $0xF000  }
0x5: {  	s28 =	simm.s32 $0xA080;
	s29 =	simm.s32 $0x18000;
	s30 =	simm.s32 $0x1  }
0x6: {  	s31 =	simm.s32 $0x2;
	[smem:$0x7FF] =	sst s4;
	s1 =	smul.u32 $0xA00, s20  }
0x7: {  	s5 =	sadd.s32 $0x2CC00, s0;
	s6 =	smul.u32 $0x1400, s20;
	s7 =	sadd.s32 $0x40C00, s0  }
0x8: {  	s2 =	sand.u32 $0x1, s2;
	s10 =	smul.u32 $0x28000, s20;
	s11 =	sadd.s32 $0x90C00, s0  }
0x9: {  	s20 =	sshll.u32 s20, $0x6;
	_ =	strace $0x80000047;
	s9 =	ssub.s32 $0x2, s2  }
0xa: {  	[dreg:$0x4] =	wrdreg s11;
	p0 =	seq.s32 s2, $0x1;
	s1 =	sadd.s32 s1, s0  }
0xb: {  	s8 =	sadd.s32 s6, s0;
	s0 =	sadd.s32 $0xA4C00, s0;
	s24 =	sshrl.u32 s9, $0x1  }
0xc: {  	s25 =	sshrl.u32 s10, $0x2;
	[dreg:$0x5] =	wrdreg s0;
	s0 =	ssub.s32 s9, s24  }
0xd: {  	s26 =	sadd.s32 $0xEC00, s1;
	s11 =	sadd.s32 $0x4C00, s1;
	s2 =	sadd.s32 s25, s3  }
.Ltmp0:
0xe: {  	s12 =	sadd.s32 $0x54C00, s8;
	s13 =	sadd.s32 $0x68C00, s8;
	(pc) =	sbr.rel .LBB2_1-.Ltmp0, $4  }
0xf: {  	s14 =	sadd.s32 $0x22C00, s1;
	s15 =	sadd.s32 $0x18C00, s1;
	s16 =	sadd.s32 $0x7CC00, s8  }
0x10: {  	s1 =	sor.u32 $0x1C03, s20;
	s24 =	simm.s32 $0x1C000;
	s25 =	simm.s32 $0x80  }
0x11: {  	[dreg:$0x6] =	wrdreg s26;
	s17 =	smax.u32 s0, $0x1;
	s23 =	sshrl.u32 s2, $0x3  }
0x12: {  	s26 =	simm.s32 $0x14000;
	s0 =	simm.s32 $0x13E00;
	s2 =	simm.s32 $0x13E80  }
.LBB2_11:
0x13: {  	[sflag:s19] =	ssyncset.done $0x0  }
0x14: {  	s8 =	rddreg [dreg:$0x5];
	s22 =	smov.u32 s1;
	[sflag:s19] =	ssyncadd.s32 $0xFFFFC000  }
.LBB2_12:
0x15: {  	s4 =	sadd.s32 $0x1, s4  }
0x16: {  	p1 =	sne.s32 s4, s17  }
.Ltmp1:
0x17: {  	s8 =	sadd.s32 s8, s6;
	[bflag:$0x0] =	sbarrier.arrive $0xFFFF;
	(pc) =	sbr.rel @!p1 .LBB2_13-.Ltmp1, $4  }
0x18: {  	[hbm:s8], [sflag:s22] =	dma.local [spmem:s23], $0x1400  }
0x19: {  	_ =	swait.ge [sflag:s19], $0x1400  }
0x1a: {  	[sflag:s19] =	ssyncset.done $0x0  }
0x1b: {  	[sflag:s19] =	ssyncadd.s32 $0xFFFFEC00  }
.LBB2_1:
.Ltmp2:
0x1c: {  	(pc) =	sbr.rel @!p0 .LBB2_2-.Ltmp2, $2  }
0x1d: {  	_ =	sdelay $0x2  }
0x1e: {  	s8 =	simm.s32 $0x0  }
0x1f: {  	[tilespmem:s18], [sflag:$0x3] =	stream.linear.gather [hbm4b:s14+s8], $0x4F00, $0x38;
	v63 =	vld [tilespmem:$0x0]  }
0x20: {  	_ =	swait.ge [sflag:s19], $0x4F00  }
0x21: {  	[sflag:s19] =	ssyncset.done $0x0  }
0x22: {  	[sflag:s19] =	ssyncadd.s32 $0xFFFFB100  }
0x23: {  	[tilespmem:s21], [sflag:$0x3] =	stream.linear.gather [hbm4b:s15+s8], $0x4F00, $0x38;
	v63 =	vld [tilespmem:$0x0]  }
0x24: {  	_ =	swait.ge [sflag:s19], $0x4F00  }
0x25: {  	[sflag:s19] =	ssyncset.done $0x0  }
0x26: {  	[sflag:s19] =	ssyncadd.s32 $0xFFFFB100  }
0x27: {  	[spmem:s23], [sflag:s1] =	dma.local [hbm:s12], $0x1400  }
0x28: {  	_ =	swait.ge [sflag:s19], $0x1400  }
0x29: {  	[sflag:s19] =	ssyncset.done $0x0  }
0x2a: {  	[sflag:s19] =	ssyncadd.s32 $0xFFFFEC00  }
0x2b: {  	s9 =	rddreg [dreg:$0x1]  }
0x2c: {  	[tilespmem:s24], [sflag:$0x3] =	stream.linear.gather [hbm4b:s9+s8], $0x4000, $0x38;
	v63 =	vld [tilespmem:$0x0]  }
0x2d: {  	_ =	swait.ge [sflag:s19], $0x4000  }
0x2e: {  	[sflag:s19] =	ssyncset.done $0x0  }
0x2f: {  	[sflag:s19] =	ssyncadd.s32 $0xFFFFC000  }
0x30: {  	[bflag:$0x0] =	sbarrier.arrive $0xFFFF  }
0x31: {  	[tilespmem:s26], [sflag:$0x1] =	stream.indirect.gather [hbm4b:s7+s25], $0x80, s18, s25, $0xb8;
	v63 =	vld [tilespmem:$0x0]  }
0x32: {  	_ = 	snop  }
0x33: {  	[tilespmem:s29], [sflag:$0x2] =	stream.indirect.gather [hbm4b:s7+s25], $0x80, s28, s25, $0xb8;
	v63 =	vld [tilespmem:$0x0]  }
0x34: {  	_ =	swait.ge [sflag:s30], $0x4000  }
0x35: {  	[sflag:s30] =	ssyncset.done $0x0  }
0x36: {  	s9 =	simm.s32 $0xF000;
	[sflag:s30] =	ssyncadd.s32 $0xFFFFC000  }
0x37: {  	[spmem:s3] =	stream.indirect.scatter.add.f32 [tilespmem:s26], [sflag:$0x3], $0x80, s9, s25, $0xb8;
	v63 =	vld [tilespmem:$0x0]  }
0x38: {  	_ =	swait.ge [sflag:s19], $0x4000  }
0x39: {  	[sflag:s19] =	ssyncset.done $0x0  }
0x3a: {  	s10 =	simm.s32 $0xA100;
	[sflag:s19] =	ssyncadd.s32 $0xFFFFC000  }
0x3b: {  	[tilespmem:s26], [sflag:$0x1] =	stream.indirect.gather [hbm4b:s7+s25], $0x80, s10, s25, $0xb8;
	v63 =	vld [tilespmem:$0x0]  }
0x3c: {  	_ =	swait.ge [sflag:s31], $0x4000  }
0x3d: {  	[sflag:s31] =	ssyncset.done $0x0  }
0x3e: {  	s22 =	simm.s32 $0xF080;
	[sflag:s31] =	ssyncadd.s32 $0xFFFFC000  }
0x3f: {  	[spmem:s3] =	stream.indirect.scatter.add.f32 [tilespmem:s29], [sflag:$0x3], $0x80, s22, s25, $0xb8;
	v63 =	vld [tilespmem:$0x0]  }
0x40: {  	_ =	swait.ge [sflag:s19], $0x4000  }
0x41: {  	[sflag:s19] =	ssyncset.done $0x0  }
0x42: {  	s8 =	simm.s32 $0x400;
	s9 =	simm.s32 $0xA180;
	[sflag:s19] =	ssyncadd.s32 $0xFFFFC000  }
.LBB2_8:
0x43: {  	[tilespmem:s29], [sflag:$0x2] =	stream.indirect.gather [hbm4b:s7+s25], $0x80, s9, s25, $0xb8;
	v63 =	vld [tilespmem:$0x0]  }
0x44: {  	s9 =	smov.u32 s8  }
0x45: {  	p1 =	sne.s32 s8, $0x13400;
	s8 =	sadd.s32 $0x400, s8;
	_ =	swait.ge [sflag:s30], $0x4000  }
0x46: {  	s9 =	sshra.s32 s9, $0x2;
	[sflag:s30] =	ssyncset.done $0x0  }
0x47: {  	s10 =	sadd.s32 $0xF000, s9;
	[sflag:s30] =	ssyncadd.s32 $0xFFFFC000  }
0x48: {  	[spmem:s3] =	stream.indirect.scatter.add.f32 [tilespmem:s26], [sflag:$0x3], $0x80, s10, s25, $0xb8;
	v63 =	vld [tilespmem:$0x0]  }
0x49: {  	_ =	swait.ge [sflag:s19], $0x4000  }
0x4a: {  	[sflag:s19] =	ssyncset.done $0x0  }
0x4b: {  	s10 =	sadd.s32 $0xA100, s9;
	[sflag:s19] =	ssyncadd.s32 $0xFFFFC000  }
0x4c: {  	[tilespmem:s26], [sflag:$0x1] =	stream.indirect.gather [hbm4b:s7+s25], $0x80, s10, s25, $0xb8;
	v63 =	vld [tilespmem:$0x0]  }
0x4d: {  	_ =	swait.ge [sflag:s31], $0x4000  }
0x4e: {  	[sflag:s31] =	ssyncset.done $0x0  }
.Ltmp3:
0x4f: {  	s10 =	sadd.s32 $0xF080, s9;
	[sflag:s31] =	ssyncadd.s32 $0xFFFFC000;
	(pc) =	sbr.rel @p1 .LBB2_8-.Ltmp3, $4  }
0x50: {  	[spmem:s3] =	stream.indirect.scatter.add.f32 [tilespmem:s29], [sflag:$0x3], $0x80, s10, s25, $0xb8;
	v63 =	vld [tilespmem:$0x0]  }
0x51: {  	_ =	swait.ge [sflag:s19], $0x4000  }
0x52: {  	[sflag:s19] =	ssyncset.done $0x0  }
0x53: {  	s9 =	sadd.s32 $0xA180, s9;
	[sflag:s19] =	ssyncadd.s32 $0xFFFFC000  }
0x54: {  	[tilespmem:s29], [sflag:$0x2] =	stream.indirect.gather [hbm4b:s7+s25], $0x80, s9, s25, $0xb8;
	v63 =	vld [tilespmem:$0x0]  }
0x55: {  	_ =	swait.ge [sflag:s30], $0x4000  }
0x56: {  	[sflag:s30] =	ssyncset.done $0x0  }
0x57: {  	[sflag:s30] =	ssyncadd.s32 $0xFFFFC000  }
0x58: {  	[spmem:s3] =	stream.indirect.scatter.add.f32 [tilespmem:s26], [sflag:$0x3], $0x80, s0, s25, $0xb8;
	v63 =	vld [tilespmem:$0x0]  }
0x59: {  	_ =	swait.ge [sflag:s19], $0x4000  }
0x5a: {  	[sflag:s19] =	ssyncset.done $0x0  }
0x5b: {  	[sflag:s19] =	ssyncadd.s32 $0xFFFFC000  }
0x5c: {  	_ =	swait.ge [sflag:s31], $0x4000  }
0x5d: {  	[sflag:s31] =	ssyncset.done $0x0  }
0x5e: {  	[sflag:s31] =	ssyncadd.s32 $0xFFFFC000  }
0x5f: {  	[spmem:s3] =	stream.indirect.scatter.add.f32 [tilespmem:s29], [sflag:$0x3], $0x80, s2, s25, $0xb8;
	v63 =	vld [tilespmem:$0x0]  }
0x60: {  	_ =	swait.ge [sflag:s19], $0x4000  }
0x61: {  	[sflag:s19] =	ssyncset.done $0x0  }
0x62: {  	[sflag:s19] =	ssyncadd.s32 $0xFFFFC000  }
0x63: {  	[bflag:$0x0] =	sbarrier.arrive $0xFFFF  }
0x64: {  	[hbm:s16], [sflag:s1] =	dma.local [spmem:s23], $0x1400  }
0x65: {  	_ =	swait.ge [sflag:s19], $0x1400  }
0x66: {  	[sflag:s19] =	ssyncset.done $0x0  }
0x67: {  	[sflag:s19] =	ssyncadd.s32 $0xFFFFEC00  }
0x68: {  	[spmem:s23], [sflag:s1] =	dma.local [hbm:s12], $0x1400  }
0x69: {  	_ =	swait.ge [sflag:s19], $0x1400  }
0x6a: {  	[sflag:s19] =	ssyncset.done $0x0  }
0x6b: {  	[sflag:s19] =	ssyncadd.s32 $0xFFFFEC00  }
0x6c: {  	s8 =	simm.s32 $0xF000;
	[bflag:$0x0] =	sbarrier.arrive $0xFFFF  }
0x6d: {  	[spmem:s3] =	stream.indirect.scatter.add.f32 [tilespmem:s24], [sflag:$0x3], $0x80, s8, s25, $0xb8;
	v63 =	vld [tilespmem:$0x0]  }
0x6e: {  	s8 =	simm.s32 $0x200;
	_ =	swait.ge [sflag:s19], $0x4000  }
.LBB2_10:
0x6f: {  	s9 =	sshra.s32 s8, $0x2;
	[sflag:s19] =	ssyncset.done $0x0;
	p1 =	sne.s32 s8, $0x13A00  }
.Ltmp4:
0x70: {  	s9 =	sadd.s32 $0xF000, s9;
	[sflag:s19] =	ssyncadd.s32 $0xFFFFC000;
	(pc) =	sbr.rel @p1 .LBB2_10-.Ltmp4, $3  }
0x71: {  	[spmem:s3] =	stream.indirect.scatter.add.f32 [tilespmem:s24], [sflag:$0x3], $0x80, s9, s25, $0xb8;
	v63 =	vld [tilespmem:$0x0]  }
0x72: {  	s8 =	sadd.s32 $0x200, s8;
	_ =	sdelay $0x1  }
0x73: {  	_ =	swait.ge [sflag:s19], $0x4000  }
.Ltmp5:
0x74: {  	_ = 	snop;
	(pc) =	sbr.rel .LBB2_11-.Ltmp5, $1  }
0x75: {  	_ =	sdelay $0x3  }
.LBB2_2:
0x76: {  	s9 =	rddreg [dreg:$0x6]  }
0x77: {  	[tilespmem:s18], [sflag:$0x3] =	stream.linear.gather [hbm4b:s9+s8], $0x4F00, $0x38;
	v63 =	vld [tilespmem:$0x0]  }
0x78: {  	_ =	swait.ge [sflag:s19], $0x4F00  }
0x79: {  	[sflag:s19] =	ssyncset.done $0x0  }
0x7a: {  	[sflag:s19] =	ssyncadd.s32 $0xFFFFB100  }
0x7b: {  	[tilespmem:s21], [sflag:$0x3] =	stream.linear.gather [hbm4b:s11+s8], $0x4F00, $0x38;
	v63 =	vld [tilespmem:$0x0]  }
0x7c: {  	_ =	swait.ge [sflag:s19], $0x4F00  }
0x7d: {  	[sflag:s19] =	ssyncset.done $0x0  }
0x7e: {  	s22 =	sor.u32 $0x1C03, s20;
	[sflag:s19] =	ssyncadd.s32 $0xFFFFB100  }
0x7f: {  	[spmem:s23], [sflag:s22] =	dma.local [hbm:s12], $0x1400  }
0x80: {  	_ =	swait.ge [sflag:s19], $0x1400  }
0x81: {  	[sflag:s19] =	ssyncset.done $0x0  }
0x82: {  	[sflag:s19] =	ssyncadd.s32 $0xFFFFEC00  }
0x83: {  	s10 =	rddreg [dreg:$0x1]  }
0x84: {  	[tilespmem:s24], [sflag:$0x3] =	stream.linear.gather [hbm4b:s10+s8], $0x4000, $0x38;
	v63 =	vld [tilespmem:$0x0]  }
0x85: {  	_ =	swait.ge [sflag:s19], $0x4000  }
0x86: {  	[sflag:s19] =	ssyncset.done $0x0  }
0x87: {  	[sflag:s19] =	ssyncadd.s32 $0xFFFFC000  }
0x88: {  	[bflag:$0x0] =	sbarrier.arrive $0xFFFF  }
0x89: {  	[tilespmem:s26], [sflag:$0x1] =	stream.indirect.gather [hbm4b:s5+s25], $0x80, s18, s25, $0xb8;
	v63 =	vld [tilespmem:$0x0]  }
0x8a: {  	_ = 	snop  }
0x8b: {  	[tilespmem:s29], [sflag:$0x2] =	stream.indirect.gather [hbm4b:s5+s25], $0x80, s28, s25, $0xb8;
	v63 =	vld [tilespmem:$0x0]  }
0x8c: {  	_ =	swait.ge [sflag:s30], $0x4000  }
0x8d: {  	[sflag:s30] =	ssyncset.done $0x0  }
0x8e: {  	s10 =	simm.s32 $0xF000;
	[sflag:s30] =	ssyncadd.s32 $0xFFFFC000  }
0x8f: {  	[spmem:s3] =	stream.indirect.scatter.add.f32 [tilespmem:s26], [sflag:$0x3], $0x80, s10, s25, $0xb8;
	v63 =	vld [tilespmem:$0x0]  }
0x90: {  	_ =	swait.ge [sflag:s19], $0x4000  }
0x91: {  	[sflag:s19] =	ssyncset.done $0x0  }
0x92: {  	s9 =	simm.s32 $0xA100;
	[sflag:s19] =	ssyncadd.s32 $0xFFFFC000  }
0x93: {  	[tilespmem:s26], [sflag:$0x1] =	stream.indirect.gather [hbm4b:s5+s25], $0x80, s9, s25, $0xb8;
	v63 =	vld [tilespmem:$0x0]  }
0x94: {  	_ =	swait.ge [sflag:s31], $0x4000  }
0x95: {  	[sflag:s31] =	ssyncset.done $0x0  }
0x96: {  	s10 =	simm.s32 $0xF080;
	[sflag:s31] =	ssyncadd.s32 $0xFFFFC000  }
0x97: {  	[spmem:s3] =	stream.indirect.scatter.add.f32 [tilespmem:s29], [sflag:$0x3], $0x80, s10, s25, $0xb8;
	v63 =	vld [tilespmem:$0x0]  }
0x98: {  	_ =	swait.ge [sflag:s19], $0x4000  }
0x99: {  	[sflag:s19] =	ssyncset.done $0x0  }
0x9a: {  	s8 =	simm.s32 $0x400;
	s9 =	simm.s32 $0xA180;
	[sflag:s19] =	ssyncadd.s32 $0xFFFFC000  }
.LBB2_3:
0x9b: {  	[tilespmem:s29], [sflag:$0x2] =	stream.indirect.gather [hbm4b:s5+s25], $0x80, s9, s25, $0xb8;
	v63 =	vld [tilespmem:$0x0]  }
0x9c: {  	s9 =	smov.u32 s8  }
0x9d: {  	p1 =	sne.s32 s8, $0x13400;
	s8 =	sadd.s32 $0x400, s8;
	_ =	swait.ge [sflag:s30], $0x4000  }
0x9e: {  	s9 =	sshra.s32 s9, $0x2;
	[sflag:s30] =	ssyncset.done $0x0  }
0x9f: {  	s10 =	sadd.s32 $0xF000, s9;
	[sflag:s30] =	ssyncadd.s32 $0xFFFFC000  }
0xa0: {  	[spmem:s3] =	stream.indirect.scatter.add.f32 [tilespmem:s26], [sflag:$0x3], $0x80, s10, s25, $0xb8;
	v63 =	vld [tilespmem:$0x0]  }
0xa1: {  	_ =	swait.ge [sflag:s19], $0x4000  }
0xa2: {  	[sflag:s19] =	ssyncset.done $0x0  }
0xa3: {  	s10 =	sadd.s32 $0xA100, s9;
	[sflag:s19] =	ssyncadd.s32 $0xFFFFC000  }
0xa4: {  	[tilespmem:s26], [sflag:$0x1] =	stream.indirect.gather [hbm4b:s5+s25], $0x80, s10, s25, $0xb8;
	v63 =	vld [tilespmem:$0x0]  }
0xa5: {  	_ =	swait.ge [sflag:s31], $0x4000  }
0xa6: {  	[sflag:s31] =	ssyncset.done $0x0  }
.Ltmp6:
0xa7: {  	s10 =	sadd.s32 $0xF080, s9;
	[sflag:s31] =	ssyncadd.s32 $0xFFFFC000;
	(pc) =	sbr.rel @p1 .LBB2_3-.Ltmp6, $4  }
0xa8: {  	[spmem:s3] =	stream.indirect.scatter.add.f32 [tilespmem:s29], [sflag:$0x3], $0x80, s10, s25, $0xb8;
	v63 =	vld [tilespmem:$0x0]  }
0xa9: {  	_ =	swait.ge [sflag:s19], $0x4000  }
0xaa: {  	[sflag:s19] =	ssyncset.done $0x0  }
0xab: {  	s9 =	sadd.s32 $0xA180, s9;
	[sflag:s19] =	ssyncadd.s32 $0xFFFFC000  }
0xac: {  	[tilespmem:s29], [sflag:$0x2] =	stream.indirect.gather [hbm4b:s5+s25], $0x80, s9, s25, $0xb8;
	v63 =	vld [tilespmem:$0x0]  }
0xad: {  	_ =	swait.ge [sflag:s30], $0x4000  }
0xae: {  	[sflag:s30] =	ssyncset.done $0x0  }
0xaf: {  	[sflag:s30] =	ssyncadd.s32 $0xFFFFC000  }
0xb0: {  	[spmem:s3] =	stream.indirect.scatter.add.f32 [tilespmem:s26], [sflag:$0x3], $0x80, s0, s25, $0xb8;
	v63 =	vld [tilespmem:$0x0]  }
0xb1: {  	_ =	swait.ge [sflag:s19], $0x4000  }
0xb2: {  	[sflag:s19] =	ssyncset.done $0x0  }
0xb3: {  	[sflag:s19] =	ssyncadd.s32 $0xFFFFC000  }
0xb4: {  	_ =	swait.ge [sflag:s31], $0x4000  }
0xb5: {  	[sflag:s31] =	ssyncset.done $0x0  }
0xb6: {  	[sflag:s31] =	ssyncadd.s32 $0xFFFFC000  }
0xb7: {  	[spmem:s3] =	stream.indirect.scatter.add.f32 [tilespmem:s29], [sflag:$0x3], $0x80, s2, s25, $0xb8;
	v63 =	vld [tilespmem:$0x0]  }
0xb8: {  	_ =	swait.ge [sflag:s19], $0x4000  }
0xb9: {  	[sflag:s19] =	ssyncset.done $0x0  }
0xba: {  	[sflag:s19] =	ssyncadd.s32 $0xFFFFC000  }
0xbb: {  	[bflag:$0x0] =	sbarrier.arrive $0xFFFF  }
0xbc: {  	[hbm:s13], [sflag:s22] =	dma.local [spmem:s23], $0x1400  }
0xbd: {  	_ =	swait.ge [sflag:s19], $0x1400  }
0xbe: {  	[sflag:s19] =	ssyncset.done $0x0  }
0xbf: {  	[sflag:s19] =	ssyncadd.s32 $0xFFFFEC00  }
0xc0: {  	[spmem:s23], [sflag:s22] =	dma.local [hbm:s12], $0x1400  }
0xc1: {  	_ =	swait.ge [sflag:s19], $0x1400  }
0xc2: {  	[sflag:s19] =	ssyncset.done $0x0  }
0xc3: {  	[sflag:s19] =	ssyncadd.s32 $0xFFFFEC00  }
0xc4: {  	s8 =	simm.s32 $0xF000;
	[bflag:$0x0] =	sbarrier.arrive $0xFFFF  }
0xc5: {  	[spmem:s3] =	stream.indirect.scatter.add.f32 [tilespmem:s24], [sflag:$0x3], $0x80, s8, s25, $0xb8;
	v63 =	vld [tilespmem:$0x0]  }
0xc6: {  	s8 =	simm.s32 $0x200;
	_ =	swait.ge [sflag:s19], $0x4000  }
.LBB2_5:
0xc7: {  	s9 =	sshra.s32 s8, $0x2;
	[sflag:s19] =	ssyncset.done $0x0;
	p1 =	seq.s32 s8, $0x13A00  }
.Ltmp7:
0xc8: {  	s9 =	sadd.s32 $0xF000, s9;
	[sflag:s19] =	ssyncadd.s32 $0xFFFFC000;
	(pc) =	sbr.rel @!p1 .LBB2_5-.Ltmp7, $3  }
0xc9: {  	[spmem:s3] =	stream.indirect.scatter.add.f32 [tilespmem:s24], [sflag:$0x3], $0x80, s9, s25, $0xb8;
	v63 =	vld [tilespmem:$0x0]  }
0xca: {  	s8 =	sadd.s32 $0x200, s8;
	_ =	sdelay $0x1  }
0xcb: {  	_ =	swait.ge [sflag:s19], $0x4000  }
.Ltmp8:
0xcc: {  	(pc) =	sbr.rel .LBB2_12-.Ltmp8, $3  }
0xcd: {  	_ =	sdelay $0x1  }
0xce: {  	[sflag:s19] =	ssyncset.done $0x0  }
0xcf: {  	s8 =	rddreg [dreg:$0x4];
	[sflag:s19] =	ssyncadd.s32 $0xFFFFC000  }
.LBB2_13:
0xd0: {  	_ =	sfence.sel $0x180000  }
0xd1: {  	[bflag:$0x0] =	sbarrier.arrive $0xFFFF  }
0xd2: {  	_ =	strace $0x90000047  }
0xd3: {  	s0 =	stileid.u32;
	[bflag:$0x2] =	sbarrier.arrive $0xFFFF  }
0xd4: {  	p0 =	sne.s32 s0, $0x0;
	s0 =	rddreg [dreg:$0x3]  }
0xd5: {  	s0 =	sadd.s32 @!p0 $0x100000, s0  }
0xd6: {  	[sflag:s0] =	ssyncadd.tile.s32 @!p0 $0x1;
	_ =	shalt  }
.Lfunc_end2:
_tile_overlayer_lowered:
.L_overlay_start_2:
0xd7: {  	(tag) =	ssettag $0x2  }
0xd8: {  	s0 =	rddreg [dreg:$0x0];
	s2 =	stileid.u32  }
0xd9: {  	s1 =	rddreg [dreg:$0x1];
	p0 =	sne.s32 s2, $0x0  }
0xda: {  	s3 =	rddreg [dreg:$0x2];
	[bflag:$0x3] =	sbarrier.arrive $0xFFFF;
	s2 =	simm.s32 @!p0 $0x1C03  }
0xdb: {  	[timem:s3], [sflag:s2] =	dma.local @!p0 [hbm:s0], s1  }
0xdc: {  	s0 =	simm.s32 @!p0 $0x3  }
0xdd: {  	_ =	swait.ge @!p0 [sflag:s0], s1  }
0xde: {  	s1 =	ssub.s32 @!p0 $0x0, s1;
	[sflag:s0] =	ssyncset.done @!p0 $0x0  }
0xdf: {  	[sflag:s0] =	ssyncadd.s32 @!p0 s1  }
0xe0: {  	[bflag:$0x3] =	sbarrier.arrive $0xFFFF  }
0xe1: {  	_ =	shalt  }

</sc_bundles>
